<compile_context>
chip_gen: v7x
topology: tpu7x:2x2x1
jax: 0.10.2.dev20260603
libtpu: 0.0.44.dev20260713+nightly
codegen_flags: <defaults>
</compile_context>

<pallas_src>
import functools

import jax
import jax.numpy as jnp
from jax import lax
from jax.experimental import pallas as pl
from jax.experimental.pallas import tpu as pltpu
from jax.experimental.pallas import tpu_sc as plsc

BB = 4
NN = 50000
KK = 128
NBR = 3
EPS_NORM = 1e-12
EPS_BN = 1e-5


_TP = 2560


def _proj_body(nrm_ref, dir_ref, proj_ref):
    d = dir_ref[...]
    ds_ = jnp.sum(d * d, axis=0, keepdims=True)
    dinv = 1.0 / jnp.maximum(jnp.sqrt(ds_), EPS_NORM)
    dnp = jnp.concatenate([d * dinv, jnp.zeros((13, KK), jnp.float32)], axis=0)

    x = nrm_ref[0]
    s = jnp.sum(x * x, axis=0, keepdims=True)
    inv = 1.0 / jnp.maximum(jnp.sqrt(s), EPS_NORM)
    xn = x * inv
    xpad = jnp.concatenate([xn, jnp.zeros((13, _TP), jnp.float32)], axis=0)
    xt = xpad.T
    proj_ref[0] = lax.dot_general(xt, dnp, (((1,), (0,)), ((), ())),
                                  preferred_element_type=jnp.float32)



_R = 160
_G = 96
_NG = (_R * NBR) // _G
_NCHUNK = (BB * NN) // _R
_NW = 32
_NV = KK // 16


def _gather_kernel(gidx_hbm, proj_hbm, feat_hbm, part_hbm,
                   idx_v, rows_v, self_v, featc_v, stat_v, sem):
    cid = lax.axis_index("c")
    sid = lax.axis_index("s")
    wid = sid * 2 + cid

    zeros16 = jnp.zeros((16,), jnp.float32)
    acc0 = [zeros16] * (2 * _NV)

    def chunk_body(t, acc):
        c = wid + t * _NW
        base = c * _R

        pltpu.sync_copy(gidx_hbm.at[pl.ds(base * NBR, _R * NBR)], idx_v)
        descs = [
            pltpu.async_copy(
                proj_hbm.at[idx_v.at[pl.ds(g * _G, _G)]],
                rows_v.at[pl.ds(g * _G, _G)],
                sem,
            )
            for g in range(_NG)
        ]
        pltpu.sync_copy(proj_hbm.at[pl.ds(base, _R)], self_v)
        for d_ in descs:
            d_.wait()

        def node_body(r, acc2):
            out = []
            for v in range(_NV):
                sl = pl.ds(v * 16, 16)
                m01 = jnp.maximum(rows_v[NBR * r, sl], rows_v[NBR * r + 1, sl])
                m2s = jnp.maximum(rows_v[NBR * r + 2, sl], self_v[r, sl])
                f = jnp.maximum(m01, m2s)
                featc_v[r, sl] = f
                out.append(acc2[v] + f)
                out.append(acc2[_NV + v] + f * f)
            return out[0::2] + out[1::2]

        acc = lax.fori_loop(0, _R, node_body, acc)
        pltpu.sync_copy(featc_v, feat_hbm.at[pl.ds(base, _R)])
        return acc

    nchunks = (_NCHUNK - wid + _NW - 1) // _NW
    acc = lax.fori_loop(0, nchunks, chunk_body, acc0)

    for v in range(_NV):
        sl = pl.ds(v * 16, 16)
        stat_v[0, sl] = acc[v]
        stat_v[1, sl] = acc[_NV + v]
    pltpu.sync_copy(stat_v, part_hbm.at[wid])



_TE = 2560


def _apply_body(f_ref, part_ref, gm_ref, bt_ref, o_ref):
    p = part_ref[...]
    cnt = float(BB * NN)
    sums = jnp.sum(p[:, 0, :], axis=0, keepdims=True)
    sqs = jnp.sum(p[:, 1, :], axis=0, keepdims=True)
    mean = sums / cnt
    var = sqs / cnt - mean * mean
    rstd = lax.rsqrt(var + EPS_BN)
    scale = gm_ref[...] * rstd
    shift = bt_ref[...] - mean * scale
    y = jnp.maximum(f_ref[0] * scale + shift, 0.0)
    o_ref[0] = y.T




def kernel(normals, ring_n, directions, gamma, beta):
    proj = pl.pallas_call(
        _proj_body,
        grid=(BB, pl.cdiv(NN, _TP)),
        in_specs=[
            pl.BlockSpec((1, 3, _TP), lambda b, i: (b, 0, i)),
            pl.BlockSpec((3, KK), lambda b, i: (0, 0)),
        ],
        out_specs=pl.BlockSpec((1, _TP, KK), lambda b, i: (b, i, 0)),
        out_shape=jax.ShapeDtypeStruct((BB, NN, KK), jnp.float32),
    )(normals, directions)

    gidx = (ring_n.astype(jnp.int32)
            + (jnp.arange(BB, dtype=jnp.int32) * NN)[:, None, None]
            ).reshape(BB * NN * NBR)
    proj_flat = proj.reshape(BB * NN, KK)

    mesh = plsc.VectorSubcoreMesh(core_axis_name="c", subcore_axis_name="s")
    feat, partials = functools.partial(
        pl.kernel,
        mesh=mesh,
        compiler_params=pltpu.CompilerParams(
            use_tc_tiling_on_sc=True, needs_layout_passes=False),
        out_type=[
            jax.ShapeDtypeStruct((BB * NN, KK), jnp.float32),
            jax.ShapeDtypeStruct((_NW, 2, KK), jnp.float32),
        ],
        scratch_types=[
            pltpu.VMEM((_R * NBR,), jnp.int32),
            pltpu.VMEM((_R * NBR, KK), jnp.float32),
            pltpu.VMEM((_R, KK), jnp.float32),
            pltpu.VMEM((_R, KK), jnp.float32),
            pltpu.VMEM((2, KK), jnp.float32),
            pltpu.SemaphoreType.DMA,
        ],
    )(_gather_kernel)(gidx, proj_flat)

    feat3 = feat.reshape(BB, NN, KK)
    gm = gamma.reshape(1, KK)
    bt = beta.reshape(1, KK)

    out = pl.pallas_call(
        _apply_body,
        grid=(BB, pl.cdiv(NN, _TE)),
        in_specs=[
            pl.BlockSpec((1, _TE, KK), lambda b, i: (b, i, 0)),
            pl.BlockSpec((_NW, 2, KK), lambda b, i: (0, 0, 0)),
            pl.BlockSpec((1, KK), lambda b, i: (0, 0)),
            pl.BlockSpec((1, KK), lambda b, i: (0, 0)),
        ],
        out_specs=pl.BlockSpec((1, KK, _TE), lambda b, i: (b, 0, i)),
        out_shape=jax.ShapeDtypeStruct((BB, KK, NN), jnp.float32),
    )(feat3, partials, gm, bt)

    return out

# --- scband reference (transcript-rebuilt; emitter-appended) ---
"""Pipeline reference for scband-curve-descriptor-43748536877378 (READ-ONLY COPY).

The authoritative reference and input builder live on the scoring server;
editing this copy changes nothing except your own understanding.
"""

import jax, jax.numpy as jnp
import numpy as np

B = 4
N = 50000
NUM_KERNEL = 128
NUM_NEIGHBOR = 3
EPS_NORM = 1e-12
EPS_BN = 1e-5


def setup_inputs(seed: int = 0) -> dict:
    key = jax.random.key(seed)
    k1, k2, k3 = jax.random.split(key, 3)
    normals = jax.random.normal(k1, (B, 3, N), dtype=jnp.float32)
    ring_n = jax.random.randint(k2, (B, N, NUM_NEIGHBOR), 0, N)
    stdv = 1.0 / np.sqrt(NUM_KERNEL)
    directions = jax.random.uniform(k3, (3, NUM_KERNEL), minval=-stdv, maxval=stdv, dtype=jnp.float32)
    gamma = jnp.ones((NUM_KERNEL,), dtype=jnp.float32)
    beta = jnp.zeros((NUM_KERNEL,), dtype=jnp.float32)
    return {"normals": normals, "ring_n": ring_n, "directions": directions, "gamma": gamma, "beta": beta}


def reference(normals, ring_n, directions, gamma, beta):
    # normals: [B, 3, N] -> [B, N, 3]
    x = jnp.transpose(normals, (0, 2, 1))
    Bb = x.shape[0]
    # gather neighbor normals: out[b, i, j, :] = x[b, ring_n[b, i, j], :]
    bidx = jnp.arange(Bb)[:, None, None]
    gathered = x[bidx, ring_n]  # [B, N, nbr, 3]
    ring = jnp.concatenate([gathered, x[:, :, None, :]], axis=2)  # [B, N, nbr+1, 3]
    # F.normalize(dim=-1)
    nrm = jnp.linalg.norm(ring, axis=-1, keepdims=True)
    nd = ring / jnp.maximum(nrm, EPS_NORM)
    # F.normalize(directions, dim=0)
    dnrm = jnp.linalg.norm(directions, axis=0, keepdims=True)
    dn = directions / jnp.maximum(dnrm, EPS_NORM)
    feat = nd @ dn  # [B, N, nbr+1, K]
    feat = jnp.max(feat, axis=2)  # [B, N, K]
    feat = jnp.transpose(feat, (0, 2, 1))  # [B, K, N]
    # BatchNorm1d in training mode: batch stats over (B, N) per channel
    mean = jnp.mean(feat, axis=(0, 2), keepdims=True)
    var = jnp.mean((feat - mean) ** 2, axis=(0, 2), keepdims=True)
    y = (feat - mean) / jnp.sqrt(var + EPS_BN)
    y = gamma[None, :, None] * y + beta[None, :, None]
    return jax.nn.relu(y)

if __name__ == "__main__":
    import jax
    _d = setup_inputs()
    print(jax.jit(kernel)(*tuple(_d.values())))

</pallas_src>

<mosaic_0001>
#map = affine_map<(d0, d1) -> (0)>
#map1 = affine_map<(d0, d1) -> (0, 0)>
#map2 = affine_map<(d0, d1) -> (0, 0, 0)>
module attributes {stable_mosaic.version = 14 : i64} {
  func.func @_gather_kernel(%arg0: i32, %arg1: i32, %arg2: memref<600000xi32, #tpu.memory_space<hbm>>, %arg3: memref<200000x128xf32, #tpu.memory_space<hbm>>, %arg4: memref<200000x128xf32, #tpu.memory_space<hbm>>, %arg5: memref<32x2x128xf32, #tpu.memory_space<hbm>>, %arg6: memref<480xi32, #tpu.memory_space<vmem>>, %arg7: memref<480x128xf32, #tpu.memory_space<vmem>>, %arg8: memref<160x128xf32, #tpu.memory_space<vmem>>, %arg9: memref<160x128xf32, #tpu.memory_space<vmem>>, %arg10: memref<2x128xf32, #tpu.memory_space<vmem>>, %arg11: memref<!tpu.dma_semaphore, #tpu.memory_space<semaphore_mem>>) attributes {dimension_semantics = [#tpu.dimension_semantics<core_parallel>, #tpu.dimension_semantics<subcore_parallel>], iteration_bounds = array<i64: 2, 16>, scalar_prefetch = 0 : i64, scratch_operands = 6 : i64, tpu.core_type = #tpu.core_type<sc_vector_subcore>, window_params = [{transform_indices = #map}, {transform_indices = #map1}, {transform_indices = #map1}, {transform_indices = #map2}]} {
    %mul3A = arith.constant 2 : i32
    %mul3A_0 = arith.muli %arg1, %mul3A : i32
    %add3A = arith.addi %mul3A_0, %arg0 : i32
    %broadcast_in_dim3A = arith.constant 0.000000e+00 : f32
    %broadcast_in_dim3A_1 = vector.broadcast %broadcast_in_dim3A : f32 to vector<16xf32>
    %sub3A = arith.constant 1250 : i32
    %sub3A_2 = arith.subi %sub3A, %add3A : i32
    %add3A_3 = arith.constant 32 : i32
    %add3A_4 = arith.addi %sub3A_2, %add3A_3 : i32
    %sub3A_5 = arith.constant 1 : i32
    %sub3A_6 = arith.subi %add3A_4, %sub3A_5 : i32
    %jit3A = arith.constant 32 : i32
    %div3A = arith.divsi %sub3A_6, %jit3A : i32
    %sign3A = arith.constant 0 : i32
    %sign3A_7 = arith.cmpi sgt, %sub3A_6, %sign3A : i32
    %sign3A_8 = arith.extui %sign3A_7 : i1 to i32
    %sign3A_9 = arith.constant 0 : i32
    %sign3A_10 = arith.cmpi slt, %sub3A_6, %sign3A_9 : i32
    %sign3A_11 = arith.extui %sign3A_10 : i1 to i32
    %sign3A_12 = arith.subi %sign3A_8, %sign3A_11 : i32
    %sign3A_13 = arith.constant 0 : i32
    %sign3A_14 = arith.cmpi sgt, %jit3A, %sign3A_13 : i32
    %sign3A_15 = arith.extui %sign3A_14 : i1 to i32
    %sign3A_16 = arith.constant 0 : i32
    %sign3A_17 = arith.cmpi slt, %jit3A, %sign3A_16 : i32
    %sign3A_18 = arith.extui %sign3A_17 : i1 to i32
    %sign3A_19 = arith.subi %sign3A_15, %sign3A_18 : i32
    %ne3A = arith.cmpi ne, %sign3A_12, %sign3A_19 : i32
    %rem3A = arith.remsi %sub3A_6, %jit3A : i32
    %ne3A_20 = arith.constant 0 : i32
    %ne3A_21 = arith.cmpi ne, %rem3A, %ne3A_20 : i32
    %and3A = arith.andi %ne3A, %ne3A_21 : i1
    %sub3A_22 = arith.constant 1 : i32
    %sub3A_23 = arith.subi %div3A, %sub3A_22 : i32
    %select_n3A = arith.select %and3A, %sub3A_23, %div3A : i32
    %while3A = arith.constant 0 : i32
    %while3A_24 = arith.subi %select_n3A, %while3A : i32
    %while3A_25 = arith.addi %while3A, %while3A_24 : i32
    %while3A_26 = arith.constant 1 : i32
    %while3A_27 = arith.divsi %while3A_24, %while3A_26 : i32
    %while3A_28 = arith.muli %while3A_27, %while3A_26 : i32
    %while3A_29 = arith.addi %while3A, %while3A_28 : i32
    %while3A_30 = arith.constant 1 : i32
    %while3A_31:16 = scf.for %while3A_97 = %while3A to %while3A_29 step %while3A_30 iter_args(%while3A_98 = %broadcast_in_dim3A_1, %while3A_99 = %broadcast_in_dim3A_1, %while3A_100 = %broadcast_in_dim3A_1, %while3A_101 = %broadcast_in_dim3A_1, %while3A_102 = %broadcast_in_dim3A_1, %while3A_103 = %broadcast_in_dim3A_1, %while3A_104 = %broadcast_in_dim3A_1, %while3A_105 = %broadcast_in_dim3A_1, %while3A_106 = %broadcast_in_dim3A_1, %while3A_107 = %broadcast_in_dim3A_1, %while3A_108 = %broadcast_in_dim3A_1, %while3A_109 = %broadcast_in_dim3A_1, %while3A_110 = %broadcast_in_dim3A_1, %while3A_111 = %broadcast_in_dim3A_1, %while3A_112 = %broadcast_in_dim3A_1, %while3A_113 = %broadcast_in_dim3A_1) -> (vector<16xf32>, vector<16xf32>, vector<16xf32>, vector<16xf32>, vector<16xf32>, vector<16xf32>, vector<16xf32>, vector<16xf32>, vector<16xf32>, vector<16xf32>, vector<16xf32>, vector<16xf32>, vector<16xf32>, vector<16xf32>, vector<16xf32>, vector<16xf32>)  : i32 {
      %mul3A_114 = arith.constant 32 : i32
      %mul3A_115 = arith.muli %while3A_97, %mul3A_114 : i32
      %add3A_116 = arith.addi %add3A, %mul3A_115 : i32
      %mul3A_117 = arith.constant 160 : i32
      %mul3A_118 = arith.muli %add3A_116, %mul3A_117 : i32
      %mul3A_119 = arith.constant 3 : i32
      %mul3A_120 = arith.muli %mul3A_118, %mul3A_119 : i32
      "tpu.region"() ({
        %run_scoped3A = tpu.sem_alloc : memref<!tpu.dma_semaphore, #tpu.memory_space<semaphore_mem>>
        %dma_start3A_204 = tpu.memref_slice %arg2[%mul3A_120] : memref<600000xi32, #tpu.memory_space<hbm>> -> memref<480xi32, #tpu.memory_space<hbm>>
        %dma_start3A_205 = tpu.memref_slice %arg2[%mul3A_120] : memref<600000xi32, #tpu.memory_space<hbm>> -> memref<480xi32, #tpu.memory_space<hbm>>
        tpu.enqueue_dma source(%dma_start3A_205 : memref<480xi32, #tpu.memory_space<hbm>>) target(%arg6 : memref<480xi32, #tpu.memory_space<vmem>>) target_semaphore(%run_scoped3A : memref<!tpu.dma_semaphore, #tpu.memory_space<semaphore_mem>>)
        %dma_wait3A_206 = tpu.memref_slice %arg2[%mul3A_120] : memref<600000xi32, #tpu.memory_space<hbm>> -> memref<480xi32, #tpu.memory_space<hbm>>
        %dma_wait3A_207 = tpu.memref_slice %arg2[%mul3A_120] : memref<600000xi32, #tpu.memory_space<hbm>> -> memref<480xi32, #tpu.memory_space<hbm>>
        tpu.wait_dma2 semaphore(%run_scoped3A : memref<!tpu.dma_semaphore, #tpu.memory_space<semaphore_mem>>) src(%dma_wait3A_207 : memref<480xi32, #tpu.memory_space<hbm>>) dst(%arg6 : memref<480xi32, #tpu.memory_space<vmem>>)
        tpu.yield
      }) : () -> ()
      %dma_start3A = arith.constant 0 : i32
      %dma_start3A_121 = arith.constant 0 : i32
      %dma_start3A_122 = tpu.memref_slice %arg7[%dma_start3A, %dma_start3A_121] : memref<480x128xf32, #tpu.memory_space<vmem>> -> memref<96x128xf32, #tpu.memory_space<vmem>>
      %dma_start3A_123 = arith.constant 0 : i32
      %dma_start3A_124 = tpu.memref_slice %arg6[%dma_start3A_123] : memref<480xi32, #tpu.memory_space<vmem>> -> memref<96xi32, #tpu.memory_space<vmem>>
      %dma_start3A_125 = arith.constant 0 : i32
      %dma_start3A_126 = arith.constant 0 : i32
      %dma_start3A_127 = tpu.memref_slice %arg3[%dma_start3A_125, %dma_start3A_126] : memref<200000x128xf32, #tpu.memory_space<hbm>> -> memref<200000x128xf32, #tpu.memory_space<hbm>>
      tpu.enqueue_indirect_dma source(%dma_start3A_127 : memref<200000x128xf32, #tpu.memory_space<hbm>>) target(%dma_start3A_122 : memref<96x128xf32, #tpu.memory_space<vmem>>) offsets(%dma_start3A_124 : memref<96xi32, #tpu.memory_space<vmem>>) semaphore(%arg11 : memref<!tpu.dma_semaphore, #tpu.memory_space<semaphore_mem>>)
      %dma_start3A_128 = arith.constant 96 : i32
      %dma_start3A_129 = arith.constant 0 : i32
      %dma_start3A_130 = tpu.memref_slice %arg7[%dma_start3A_128, %dma_start3A_129] : memref<480x128xf32, #tpu.memory_space<vmem>> -> memref<96x128xf32, #tpu.memory_space<vmem>>
      %dma_start3A_131 = arith.constant 96 : i32
      %dma_start3A_132 = tpu.memref_slice %arg6[%dma_start3A_131] : memref<480xi32, #tpu.memory_space<vmem>> -> memref<96xi32, #tpu.memory_space<vmem>>
      %dma_start3A_133 = arith.constant 0 : i32
      %dma_start3A_134 = arith.constant 0 : i32
      %dma_start3A_135 = tpu.memref_slice %arg3[%dma_start3A_133, %dma_start3A_134] : memref<200000x128xf32, #tpu.memory_space<hbm>> -> memref<200000x128xf32, #tpu.memory_space<hbm>>
      tpu.enqueue_indirect_dma source(%dma_start3A_135 : memref<200000x128xf32, #tpu.memory_space<hbm>>) target(%dma_start3A_130 : memref<96x128xf32, #tpu.memory_space<vmem>>) offsets(%dma_start3A_132 : memref<96xi32, #tpu.memory_space<vmem>>) semaphore(%arg11 : memref<!tpu.dma_semaphore, #tpu.memory_space<semaphore_mem>>)
      %dma_start3A_136 = arith.constant 192 : i32
      %dma_start3A_137 = arith.constant 0 : i32
      %dma_start3A_138 = tpu.memref_slice %arg7[%dma_start3A_136, %dma_start3A_137] : memref<480x128xf32, #tpu.memory_space<vmem>> -> memref<96x128xf32, #tpu.memory_space<vmem>>
      %dma_start3A_139 = arith.constant 192 : i32
      %dma_start3A_140 = tpu.memref_slice %arg6[%dma_start3A_139] : memref<480xi32, #tpu.memory_space<vmem>> -> memref<96xi32, #tpu.memory_space<vmem>>
      %dma_start3A_141 = arith.constant 0 : i32
      %dma_start3A_142 = arith.constant 0 : i32
      %dma_start3A_143 = tpu.memref_slice %arg3[%dma_start3A_141, %dma_start3A_142] : memref<200000x128xf32, #tpu.memory_space<hbm>> -> memref<200000x128xf32, #tpu.memory_space<hbm>>
      tpu.enqueue_indirect_dma source(%dma_start3A_143 : memref<200000x128xf32, #tpu.memory_space<hbm>>) target(%dma_start3A_138 : memref<96x128xf32, #tpu.memory_space<vmem>>) offsets(%dma_start3A_140 : memref<96xi32, #tpu.memory_space<vmem>>) semaphore(%arg11 : memref<!tpu.dma_semaphore, #tpu.memory_space<semaphore_mem>>)
      %dma_start3A_144 = arith.constant 288 : i32
      %dma_start3A_145 = arith.constant 0 : i32
      %dma_start3A_146 = tpu.memref_slice %arg7[%dma_start3A_144, %dma_start3A_145] : memref<480x128xf32, #tpu.memory_space<vmem>> -> memref<96x128xf32, #tpu.memory_space<vmem>>
      %dma_start3A_147 = arith.constant 288 : i32
      %dma_start3A_148 = tpu.memref_slice %arg6[%dma_start3A_147] : memref<480xi32, #tpu.memory_space<vmem>> -> memref<96xi32, #tpu.memory_space<vmem>>
      %dma_start3A_149 = arith.constant 0 : i32
      %dma_start3A_150 = arith.constant 0 : i32
      %dma_start3A_151 = tpu.memref_slice %arg3[%dma_start3A_149, %dma_start3A_150] : memref<200000x128xf32, #tpu.memory_space<hbm>> -> memref<200000x128xf32, #tpu.memory_space<hbm>>
      tpu.enqueue_indirect_dma source(%dma_start3A_151 : memref<200000x128xf32, #tpu.memory_space<hbm>>) target(%dma_start3A_146 : memref<96x128xf32, #tpu.memory_space<vmem>>) offsets(%dma_start3A_148 : memref<96xi32, #tpu.memory_space<vmem>>) semaphore(%arg11 : memref<!tpu.dma_semaphore, #tpu.memory_space<semaphore_mem>>)
      %dma_start3A_152 = arith.constant 384 : i32
      %dma_start3A_153 = arith.constant 0 : i32
      %dma_start3A_154 = tpu.memref_slice %arg7[%dma_start3A_152, %dma_start3A_153] : memref<480x128xf32, #tpu.memory_space<vmem>> -> memref<96x128xf32, #tpu.memory_space<vmem>>
      %dma_start3A_155 = arith.constant 384 : i32
      %dma_start3A_156 = tpu.memref_slice %arg6[%dma_start3A_155] : memref<480xi32, #tpu.memory_space<vmem>> -> memref<96xi32, #tpu.memory_space<vmem>>
      %dma_start3A_157 = arith.constant 0 : i32
      %dma_start3A_158 = arith.constant 0 : i32
      %dma_start3A_159 = tpu.memref_slice %arg3[%dma_start3A_157, %dma_start3A_158] : memref<200000x128xf32, #tpu.memory_space<hbm>> -> memref<200000x128xf32, #tpu.memory_space<hbm>>
      tpu.enqueue_indirect_dma source(%dma_start3A_159 : memref<200000x128xf32, #tpu.memory_space<hbm>>) target(%dma_start3A_154 : memref<96x128xf32, #tpu.memory_space<vmem>>) offsets(%dma_start3A_156 : memref<96xi32, #tpu.memory_space<vmem>>) semaphore(%arg11 : memref<!tpu.dma_semaphore, #tpu.memory_space<semaphore_mem>>)
      "tpu.region"() ({
        %run_scoped3A = tpu.sem_alloc : memref<!tpu.dma_semaphore, #tpu.memory_space<semaphore_mem>>
        %dma_start3A_204 = arith.constant 0 : i32
        %dma_start3A_205 = tpu.memref_slice %arg3[%mul3A_118, %dma_start3A_204] : memref<200000x128xf32, #tpu.memory_space<hbm>> -> memref<160x128xf32, #tpu.memory_space<hbm>>
        %dma_start3A_206 = arith.constant 0 : i32
        %dma_start3A_207 = tpu.memref_slice %arg3[%mul3A_118, %dma_start3A_206] : memref<200000x128xf32, #tpu.memory_space<hbm>> -> memref<160x128xf32, #tpu.memory_space<hbm>>
        tpu.enqueue_dma source(%dma_start3A_207 : memref<160x128xf32, #tpu.memory_space<hbm>>) target(%arg8 : memref<160x128xf32, #tpu.memory_space<vmem>>) target_semaphore(%run_scoped3A : memref<!tpu.dma_semaphore, #tpu.memory_space<semaphore_mem>>)
        %dma_wait3A_208 = arith.constant 0 : i32
        %dma_wait3A_209 = tpu.memref_slice %arg3[%mul3A_118, %dma_wait3A_208] : memref<200000x128xf32, #tpu.memory_space<hbm>> -> memref<160x128xf32, #tpu.memory_space<hbm>>
        %dma_wait3A_210 = arith.constant 0 : i32
        %dma_wait3A_211 = tpu.memref_slice %arg3[%mul3A_118, %dma_wait3A_210] : memref<200000x128xf32, #tpu.memory_space<hbm>> -> memref<160x128xf32, #tpu.memory_space<hbm>>
        tpu.wait_dma2 semaphore(%run_scoped3A : memref<!tpu.dma_semaphore, #tpu.memory_space<semaphore_mem>>) src(%dma_wait3A_211 : memref<160x128xf32, #tpu.memory_space<hbm>>) dst(%arg8 : memref<160x128xf32, #tpu.memory_space<vmem>>)
        tpu.yield
      }) : () -> ()
      %dma_wait3A = arith.constant 0 : i32
      %dma_wait3A_160 = arith.constant 0 : i32
      %dma_wait3A_161 = tpu.memref_slice %arg7[%dma_wait3A, %dma_wait3A_160] : memref<480x128xf32, #tpu.memory_space<vmem>> -> memref<96x128xf32, #tpu.memory_space<vmem>>
      %dma_wait3A_162 = arith.constant 0 : i32
      %dma_wait3A_163 = tpu.memref_slice %arg6[%dma_wait3A_162] : memref<480xi32, #tpu.memory_space<vmem>> -> memref<96xi32, #tpu.memory_space<vmem>>
      %dma_wait3A_164 = arith.constant 0 : i32
      %dma_wait3A_165 = arith.constant 0 : i32
      %dma_wait3A_166 = tpu.memref_slice %arg3[%dma_wait3A_164, %dma_wait3A_165] : memref<200000x128xf32, #tpu.memory_space<hbm>> -> memref<200000x128xf32, #tpu.memory_space<hbm>>
      tpu.wait_indirect_dma semaphore(%arg11 : memref<!tpu.dma_semaphore, #tpu.memory_space<semaphore_mem>>) src(%dma_wait3A_166 : memref<200000x128xf32, #tpu.memory_space<hbm>>) dst(%dma_wait3A_161 : memref<96x128xf32, #tpu.memory_space<vmem>>)
      %dma_wait3A_167 = arith.constant 96 : i32
      %dma_wait3A_168 = arith.constant 0 : i32
      %dma_wait3A_169 = tpu.memref_slice %arg7[%dma_wait3A_167, %dma_wait3A_168] : memref<480x128xf32, #tpu.memory_space<vmem>> -> memref<96x128xf32, #tpu.memory_space<vmem>>
      %dma_wait3A_170 = arith.constant 96 : i32
      %dma_wait3A_171 = tpu.memref_slice %arg6[%dma_wait3A_170] : memref<480xi32, #tpu.memory_space<vmem>> -> memref<96xi32, #tpu.memory_space<vmem>>
      %dma_wait3A_172 = arith.constant 0 : i32
      %dma_wait3A_173 = arith.constant 0 : i32
      %dma_wait3A_174 = tpu.memref_slice %arg3[%dma_wait3A_172, %dma_wait3A_173] : memref<200000x128xf32, #tpu.memory_space<hbm>> -> memref<200000x128xf32, #tpu.memory_space<hbm>>
      tpu.wait_indirect_dma semaphore(%arg11 : memref<!tpu.dma_semaphore, #tpu.memory_space<semaphore_mem>>) src(%dma_wait3A_174 : memref<200000x128xf32, #tpu.memory_space<hbm>>) dst(%dma_wait3A_169 : memref<96x128xf32, #tpu.memory_space<vmem>>)
      %dma_wait3A_175 = arith.constant 192 : i32
      %dma_wait3A_176 = arith.constant 0 : i32
      %dma_wait3A_177 = tpu.memref_slice %arg7[%dma_wait3A_175, %dma_wait3A_176] : memref<480x128xf32, #tpu.memory_space<vmem>> -> memref<96x128xf32, #tpu.memory_space<vmem>>
      %dma_wait3A_178 = arith.constant 192 : i32
      %dma_wait3A_179 = tpu.memref_slice %arg6[%dma_wait3A_178] : memref<480xi32, #tpu.memory_space<vmem>> -> memref<96xi32, #tpu.memory_space<vmem>>
      %dma_wait3A_180 = arith.constant 0 : i32
      %dma_wait3A_181 = arith.constant 0 : i32
      %dma_wait3A_182 = tpu.memref_slice %arg3[%dma_wait3A_180, %dma_wait3A_181] : memref<200000x128xf32, #tpu.memory_space<hbm>> -> memref<200000x128xf32, #tpu.memory_space<hbm>>
      tpu.wait_indirect_dma semaphore(%arg11 : memref<!tpu.dma_semaphore, #tpu.memory_space<semaphore_mem>>) src(%dma_wait3A_182 : memref<200000x128xf32, #tpu.memory_space<hbm>>) dst(%dma_wait3A_177 : memref<96x128xf32, #tpu.memory_space<vmem>>)
      %dma_wait3A_183 = arith.constant 288 : i32
      %dma_wait3A_184 = arith.constant 0 : i32
      %dma_wait3A_185 = tpu.memref_slice %arg7[%dma_wait3A_183, %dma_wait3A_184] : memref<480x128xf32, #tpu.memory_space<vmem>> -> memref<96x128xf32, #tpu.memory_space<vmem>>
      %dma_wait3A_186 = arith.constant 288 : i32
      %dma_wait3A_187 = tpu.memref_slice %arg6[%dma_wait3A_186] : memref<480xi32, #tpu.memory_space<vmem>> -> memref<96xi32, #tpu.memory_space<vmem>>
      %dma_wait3A_188 = arith.constant 0 : i32
      %dma_wait3A_189 = arith.constant 0 : i32
      %dma_wait3A_190 = tpu.memref_slice %arg3[%dma_wait3A_188, %dma_wait3A_189] : memref<200000x128xf32, #tpu.memory_space<hbm>> -> memref<200000x128xf32, #tpu.memory_space<hbm>>
      tpu.wait_indirect_dma semaphore(%arg11 : memref<!tpu.dma_semaphore, #tpu.memory_space<semaphore_mem>>) src(%dma_wait3A_190 : memref<200000x128xf32, #tpu.memory_space<hbm>>) dst(%dma_wait3A_185 : memref<96x128xf32, #tpu.memory_space<vmem>>)
      %dma_wait3A_191 = arith.constant 384 : i32
      %dma_wait3A_192 = arith.constant 0 : i32
      %dma_wait3A_193 = tpu.memref_slice %arg7[%dma_wait3A_191, %dma_wait3A_192] : memref<480x128xf32, #tpu.memory_space<vmem>> -> memref<96x128xf32, #tpu.memory_space<vmem>>
      %dma_wait3A_194 = arith.constant 384 : i32
      %dma_wait3A_195 = tpu.memref_slice %arg6[%dma_wait3A_194] : memref<480xi32, #tpu.memory_space<vmem>> -> memref<96xi32, #tpu.memory_space<vmem>>
      %dma_wait3A_196 = arith.constant 0 : i32
      %dma_wait3A_197 = arith.constant 0 : i32
      %dma_wait3A_198 = tpu.memref_slice %arg3[%dma_wait3A_196, %dma_wait3A_197] : memref<200000x128xf32, #tpu.memory_space<hbm>> -> memref<200000x128xf32, #tpu.memory_space<hbm>>
      tpu.wait_indirect_dma semaphore(%arg11 : memref<!tpu.dma_semaphore, #tpu.memory_space<semaphore_mem>>) src(%dma_wait3A_198 : memref<200000x128xf32, #tpu.memory_space<hbm>>) dst(%dma_wait3A_193 : memref<96x128xf32, #tpu.memory_space<vmem>>)
      %scan3A = arith.constant 0 : i32
      %scan3A_199 = arith.constant 160 : i32
      %scan3A_200 = arith.addi %scan3A, %scan3A_199 : i32
      %scan3A_201 = arith.constant 1 : i32
      %scan3A_202:16 = scf.for %scan3A_204 = %scan3A to %scan3A_200 step %scan3A_201 iter_args(%scan3A_205 = %while3A_98, %scan3A_206 = %while3A_99, %scan3A_207 = %while3A_100, %scan3A_208 = %while3A_101, %scan3A_209 = %while3A_102, %scan3A_210 = %while3A_103, %scan3A_211 = %while3A_104, %scan3A_212 = %while3A_105, %scan3A_213 = %while3A_106, %scan3A_214 = %while3A_107, %scan3A_215 = %while3A_108, %scan3A_216 = %while3A_109, %scan3A_217 = %while3A_110, %scan3A_218 = %while3A_111, %scan3A_219 = %while3A_112, %scan3A_220 = %while3A_113) -> (vector<16xf32>, vector<16xf32>, vector<16xf32>, vector<16xf32>, vector<16xf32>, vector<16xf32>, vector<16xf32>, vector<16xf32>, vector<16xf32>, vector<16xf32>, vector<16xf32>, vector<16xf32>, vector<16xf32>, vector<16xf32>, vector<16xf32>, vector<16xf32>)  : i32 {
        %mul3A_221 = arith.constant 3 : i32
        %mul3A_222 = arith.muli %mul3A_221, %scan3A_204 : i32
        %get3A = arith.index_cast %mul3A_222 : i32 to index
        %get3A_223 = arith.constant 0 : index
        %get3A_224 = tpu.vector_load %arg7[%get3A, %get3A_223] {strides = array<i32>} : memref<480x128xf32, #tpu.memory_space<vmem>>, vector<16xf32>,
        %mul3A_225 = arith.constant 3 : i32
        %mul3A_226 = arith.muli %mul3A_225, %scan3A_204 : i32
        %add3A_227 = arith.constant 1 : i32
        %add3A_228 = arith.addi %mul3A_226, %add3A_227 : i32
        %get3A_229 = arith.index_cast %add3A_228 : i32 to index
        %get3A_230 = arith.constant 0 : index
        %get3A_231 = tpu.vector_load %arg7[%get3A_229, %get3A_230] {strides = array<i32>} : memref<480x128xf32, #tpu.memory_space<vmem>>, vector<16xf32>,
        %max3A = arith.maximumf %get3A_224, %get3A_231 : vector<16xf32>
        %mul3A_232 = arith.constant 3 : i32
        %mul3A_233 = arith.muli %mul3A_232, %scan3A_204 : i32
        %add3A_234 = arith.constant 2 : i32
        %add3A_235 = arith.addi %mul3A_233, %add3A_234 : i32
        %get3A_236 = arith.index_cast %add3A_235 : i32 to index
        %get3A_237 = arith.constant 0 : index
        %get3A_238 = tpu.vector_load %arg7[%get3A_236, %get3A_237] {strides = array<i32>} : memref<480x128xf32, #tpu.memory_space<vmem>>, vector<16xf32>,
        %get3A_239 = arith.index_cast %scan3A_204 : i32 to index
        %get3A_240 = arith.constant 0 : index
        %get3A_241 = tpu.vector_load %arg8[%get3A_239, %get3A_240] {strides = array<i32>} : memref<160x128xf32, #tpu.memory_space<vmem>>, vector<16xf32>,
        %max3A_242 = arith.maximumf %get3A_238, %get3A_241 : vector<16xf32>
        %max3A_243 = arith.maximumf %max3A, %max3A_242 : vector<16xf32>
        %swap3A_244 = arith.index_cast %scan3A_204 : i32 to index
        %swap3A_245 = arith.constant 0 : index
        %swap3A_246 = tpu.vector_load %arg9[%swap3A_244, %swap3A_245] {strides = array<i32>} : memref<160x128xf32, #tpu.memory_space<vmem>>, vector<16xf32>,
        tpu.vector_store %arg9[%swap3A_244, %swap3A_245], %max3A_243 {strides = array<i32>} : memref<160x128xf32, #tpu.memory_space<vmem>>, vector<16xf32>,
        %add3A_247 = arith.addf %scan3A_205, %max3A_243 : vector<16xf32>
        %mul3A_248 = arith.mulf %max3A_243, %max3A_243 : vector<16xf32>
        %add3A_249 = arith.addf %scan3A_213, %mul3A_248 : vector<16xf32>
        %mul3A_250 = arith.constant 3 : i32
        %mul3A_251 = arith.muli %mul3A_250, %scan3A_204 : i32
        %get3A_252 = arith.index_cast %mul3A_251 : i32 to index
        %get3A_253 = arith.constant 16 : index
        %get3A_254 = tpu.vector_load %arg7[%get3A_252, %get3A_253] {strides = array<i32>} : memref<480x128xf32, #tpu.memory_space<vmem>>, vector<16xf32>,
        %mul3A_255 = arith.constant 3 : i32
        %mul3A_256 = arith.muli %mul3A_255, %scan3A_204 : i32
        %add3A_257 = arith.constant 1 : i32
        %add3A_258 = arith.addi %mul3A_256, %add3A_257 : i32
        %get3A_259 = arith.index_cast %add3A_258 : i32 to index
        %get3A_260 = arith.constant 16 : index
        %get3A_261 = tpu.vector_load %arg7[%get3A_259, %get3A_260] {strides = array<i32>} : memref<480x128xf32, #tpu.memory_space<vmem>>, vector<16xf32>,
        %max3A_262 = arith.maximumf %get3A_254, %get3A_261 : vector<16xf32>
        %mul3A_263 = arith.constant 3 : i32
        %mul3A_264 = arith.muli %mul3A_263, %scan3A_204 : i32
        %add3A_265 = arith.constant 2 : i32
        %add3A_266 = arith.addi %mul3A_264, %add3A_265 : i32
        %get3A_267 = arith.index_cast %add3A_266 : i32 to index
        %get3A_268 = arith.constant 16 : index
        %get3A_269 = tpu.vector_load %arg7[%get3A_267, %get3A_268] {strides = array<i32>} : memref<480x128xf32, #tpu.memory_space<vmem>>, vector<16xf32>,
        %get3A_270 = arith.index_cast %scan3A_204 : i32 to index
        %get3A_271 = arith.constant 16 : index
        %get3A_272 = tpu.vector_load %arg8[%get3A_270, %get3A_271] {strides = array<i32>} : memref<160x128xf32, #tpu.memory_space<vmem>>, vector<16xf32>,
        %max3A_273 = arith.maximumf %get3A_269, %get3A_272 : vector<16xf32>
        %max3A_274 = arith.maximumf %max3A_262, %max3A_273 : vector<16xf32>
        %swap3A_275 = arith.index_cast %scan3A_204 : i32 to index
        %swap3A_276 = arith.constant 16 : index
        %swap3A_277 = tpu.vector_load %arg9[%swap3A_275, %swap3A_276] {strides = array<i32>} : memref<160x128xf32, #tpu.memory_space<vmem>>, vector<16xf32>,
        tpu.vector_store %arg9[%swap3A_275, %swap3A_276], %max3A_274 {strides = array<i32>} : memref<160x128xf32, #tpu.memory_space<vmem>>, vector<16xf32>,
        %add3A_278 = arith.addf %scan3A_206, %max3A_274 : vector<16xf32>
        %mul3A_279 = arith.mulf %max3A_274, %max3A_274 : vector<16xf32>
        %add3A_280 = arith.addf %scan3A_214, %mul3A_279 : vector<16xf32>
        %mul3A_281 = arith.constant 3 : i32
        %mul3A_282 = arith.muli %mul3A_281, %scan3A_204 : i32
        %get3A_283 = arith.index_cast %mul3A_282 : i32 to index
        %get3A_284 = arith.constant 32 : index
        %get3A_285 = tpu.vector_load %arg7[%get3A_283, %get3A_284] {strides = array<i32>} : memref<480x128xf32, #tpu.memory_space<vmem>>, vector<16xf32>,
        %mul3A_286 = arith.constant 3 : i32
        %mul3A_287 = arith.muli %mul3A_286, %scan3A_204 : i32
        %add3A_288 = arith.constant 1 : i32
        %add3A_289 = arith.addi %mul3A_287, %add3A_288 : i32
        %get3A_290 = arith.index_cast %add3A_289 : i32 to index
        %get3A_291 = arith.constant 32 : index
        %get3A_292 = tpu.vector_load %arg7[%get3A_290, %get3A_291] {strides = array<i32>} : memref<480x128xf32, #tpu.memory_space<vmem>>, vector<16xf32>,
        %max3A_293 = arith.maximumf %get3A_285, %get3A_292 : vector<16xf32>
        %mul3A_294 = arith.constant 3 : i32
        %mul3A_295 = arith.muli %mul3A_294, %scan3A_204 : i32
        %add3A_296 = arith.constant 2 : i32
        %add3A_297 = arith.addi %mul3A_295, %add3A_296 : i32
        %get3A_298 = arith.index_cast %add3A_297 : i32 to index
        %get3A_299 = arith.constant 32 : index
        %get3A_300 = tpu.vector_load %arg7[%get3A_298, %get3A_299] {strides = array<i32>} : memref<480x128xf32, #tpu.memory_space<vmem>>, vector<16xf32>,
        %get3A_301 = arith.index_cast %scan3A_204 : i32 to index
        %get3A_302 = arith.constant 32 : index
        %get3A_303 = tpu.vector_load %arg8[%get3A_301, %get3A_302] {strides = array<i32>} : memref<160x128xf32, #tpu.memory_space<vmem>>, vector<16xf32>,
        %max3A_304 = arith.maximumf %get3A_300, %get3A_303 : vector<16xf32>
        %max3A_305 = arith.maximumf %max3A_293, %max3A_304 : vector<16xf32>
        %swap3A_306 = arith.index_cast %scan3A_204 : i32 to index
        %swap3A_307 = arith.constant 32 : index
        %swap3A_308 = tpu.vector_load %arg9[%swap3A_306, %swap3A_307] {strides = array<i32>} : memref<160x128xf32, #tpu.memory_space<vmem>>, vector<16xf32>,
        tpu.vector_store %arg9[%swap3A_306, %swap3A_307], %max3A_305 {strides = array<i32>} : memref<160x128xf32, #tpu.memory_space<vmem>>, vector<16xf32>,
        %add3A_309 = arith.addf %scan3A_207, %max3A_305 : vector<16xf32>
        %mul3A_310 = arith.mulf %max3A_305, %max3A_305 : vector<16xf32>
        %add3A_311 = arith.addf %scan3A_215, %mul3A_310 : vector<16xf32>
        %mul3A_312 = arith.constant 3 : i32
        %mul3A_313 = arith.muli %mul3A_312, %scan3A_204 : i32
        %get3A_314 = arith.index_cast %mul3A_313 : i32 to index
        %get3A_315 = arith.constant 48 : index
        %get3A_316 = tpu.vector_load %arg7[%get3A_314, %get3A_315] {strides = array<i32>} : memref<480x128xf32, #tpu.memory_space<vmem>>, vector<16xf32>,
        %mul3A_317 = arith.constant 3 : i32
        %mul3A_318 = arith.muli %mul3A_317, %scan3A_204 : i32
        %add3A_319 = arith.constant 1 : i32
        %add3A_320 = arith.addi %mul3A_318, %add3A_319 : i32
        %get3A_321 = arith.index_cast %add3A_320 : i32 to index
        %get3A_322 = arith.constant 48 : index
        %get3A_323 = tpu.vector_load %arg7[%get3A_321, %get3A_322] {strides = array<i32>} : memref<480x128xf32, #tpu.memory_space<vmem>>, vector<16xf32>,
        %max3A_324 = arith.maximumf %get3A_316, %get3A_323 : vector<16xf32>
        %mul3A_325 = arith.constant 3 : i32
        %mul3A_326 = arith.muli %mul3A_325, %scan3A_204 : i32
        %add3A_327 = arith.constant 2 : i32
        %add3A_328 = arith.addi %mul3A_326, %add3A_327 : i32
        %get3A_329 = arith.index_cast %add3A_328 : i32 to index
        %get3A_330 = arith.constant 48 : index
        %get3A_331 = tpu.vector_load %arg7[%get3A_329, %get3A_330] {strides = array<i32>} : memref<480x128xf32, #tpu.memory_space<vmem>>, vector<16xf32>,
        %get3A_332 = arith.index_cast %scan3A_204 : i32 to index
        %get3A_333 = arith.constant 48 : index
        %get3A_334 = tpu.vector_load %arg8[%get3A_332, %get3A_333] {strides = array<i32>} : memref<160x128xf32, #tpu.memory_space<vmem>>, vector<16xf32>,
        %max3A_335 = arith.maximumf %get3A_331, %get3A_334 : vector<16xf32>
        %max3A_336 = arith.maximumf %max3A_324, %max3A_335 : vector<16xf32>
        %swap3A_337 = arith.index_cast %scan3A_204 : i32 to index
        %swap3A_338 = arith.constant 48 : index
        %swap3A_339 = tpu.vector_load %arg9[%swap3A_337, %swap3A_338] {strides = array<i32>} : memref<160x128xf32, #tpu.memory_space<vmem>>, vector<16xf32>,
        tpu.vector_store %arg9[%swap3A_337, %swap3A_338], %max3A_336 {strides = array<i32>} : memref<160x128xf32, #tpu.memory_space<vmem>>, vector<16xf32>,
        %add3A_340 = arith.addf %scan3A_208, %max3A_336 : vector<16xf32>
        %mul3A_341 = arith.mulf %max3A_336, %max3A_336 : vector<16xf32>
        %add3A_342 = arith.addf %scan3A_216, %mul3A_341 : vector<16xf32>
        %mul3A_343 = arith.constant 3 : i32
        %mul3A_344 = arith.muli %mul3A_343, %scan3A_204 : i32
        %get3A_345 = arith.index_cast %mul3A_344 : i32 to index
        %get3A_346 = arith.constant 64 : index
        %get3A_347 = tpu.vector_load %arg7[%get3A_345, %get3A_346] {strides = array<i32>} : memref<480x128xf32, #tpu.memory_space<vmem>>, vector<16xf32>,
        %mul3A_348 = arith.constant 3 : i32
        %mul3A_349 = arith.muli %mul3A_348, %scan3A_204 : i32
        %add3A_350 = arith.constant 1 : i32
        %add3A_351 = arith.addi %mul3A_349, %add3A_350 : i32
        %get3A_352 = arith.index_cast %add3A_351 : i32 to index
        %get3A_353 = arith.constant 64 : index
        %get3A_354 = tpu.vector_load %arg7[%get3A_352, %get3A_353] {strides = array<i32>} : memref<480x128xf32, #tpu.memory_space<vmem>>, vector<16xf32>,
        %max3A_355 = arith.maximumf %get3A_347, %get3A_354 : vector<16xf32>
        %mul3A_356 = arith.constant 3 : i32
        %mul3A_357 = arith.muli %mul3A_356, %scan3A_204 : i32
        %add3A_358 = arith.constant 2 : i32
        %add3A_359 = arith.addi %mul3A_357, %add3A_358 : i32
        %get3A_360 = arith.index_cast %add3A_359 : i32 to index
        %get3A_361 = arith.constant 64 : index
        %get3A_362 = tpu.vector_load %arg7[%get3A_360, %get3A_361] {strides = array<i32>} : memref<480x128xf32, #tpu.memory_space<vmem>>, vector<16xf32>,
        %get3A_363 = arith.index_cast %scan3A_204 : i32 to index
        %get3A_364 = arith.constant 64 : index
        %get3A_365 = tpu.vector_load %arg8[%get3A_363, %get3A_364] {strides = array<i32>} : memref<160x128xf32, #tpu.memory_space<vmem>>, vector<16xf32>,
        %max3A_366 = arith.maximumf %get3A_362, %get3A_365 : vector<16xf32>
        %max3A_367 = arith.maximumf %max3A_355, %max3A_366 : vector<16xf32>
        %swap3A_368 = arith.index_cast %scan3A_204 : i32 to index
        %swap3A_369 = arith.constant 64 : index
        %swap3A_370 = tpu.vector_load %arg9[%swap3A_368, %swap3A_369] {strides = array<i32>} : memref<160x128xf32, #tpu.memory_space<vmem>>, vector<16xf32>,
        tpu.vector_store %arg9[%swap3A_368, %swap3A_369], %max3A_367 {strides = array<i32>} : memref<160x128xf32, #tpu.memory_space<vmem>>, vector<16xf32>,
        %add3A_371 = arith.addf %scan3A_209, %max3A_367 : vector<16xf32>
        %mul3A_372 = arith.mulf %max3A_367, %max3A_367 : vector<16xf32>
        %add3A_373 = arith.addf %scan3A_217, %mul3A_372 : vector<16xf32>
        %mul3A_374 = arith.constant 3 : i32
        %mul3A_375 = arith.muli %mul3A_374, %scan3A_204 : i32
        %get3A_376 = arith.index_cast %mul3A_375 : i32 to index
        %get3A_377 = arith.constant 80 : index
        %get3A_378 = tpu.vector_load %arg7[%get3A_376, %get3A_377] {strides = array<i32>} : memref<480x128xf32, #tpu.memory_space<vmem>>, vector<16xf32>,
        %mul3A_379 = arith.constant 3 : i32
        %mul3A_380 = arith.muli %mul3A_379, %scan3A_204 : i32
        %add3A_381 = arith.constant 1 : i32
        %add3A_382 = arith.addi %mul3A_380, %add3A_381 : i32
        %get3A_383 = arith.index_cast %add3A_382 : i32 to index
        %get3A_384 = arith.constant 80 : index
        %get3A_385 = tpu.vector_load %arg7[%get3A_383, %get3A_384] {strides = array<i32>} : memref<480x128xf32, #tpu.memory_space<vmem>>, vector<16xf32>,
        %max3A_386 = arith.maximumf %get3A_378, %get3A_385 : vector<16xf32>
        %mul3A_387 = arith.constant 3 : i32
        %mul3A_388 = arith.muli %mul3A_387, %scan3A_204 : i32
        %add3A_389 = arith.constant 2 : i32
        %add3A_390 = arith.addi %mul3A_388, %add3A_389 : i32
        %get3A_391 = arith.index_cast %add3A_390 : i32 to index
        %get3A_392 = arith.constant 80 : index
        %get3A_393 = tpu.vector_load %arg7[%get3A_391, %get3A_392] {strides = array<i32>} : memref<480x128xf32, #tpu.memory_space<vmem>>, vector<16xf32>,
        %get3A_394 = arith.index_cast %scan3A_204 : i32 to index
        %get3A_395 = arith.constant 80 : index
        %get3A_396 = tpu.vector_load %arg8[%get3A_394, %get3A_395] {strides = array<i32>} : memref<160x128xf32, #tpu.memory_space<vmem>>, vector<16xf32>,
        %max3A_397 = arith.maximumf %get3A_393, %get3A_396 : vector<16xf32>
        %max3A_398 = arith.maximumf %max3A_386, %max3A_397 : vector<16xf32>
        %swap3A_399 = arith.index_cast %scan3A_204 : i32 to index
        %swap3A_400 = arith.constant 80 : index
        %swap3A_401 = tpu.vector_load %arg9[%swap3A_399, %swap3A_400] {strides = array<i32>} : memref<160x128xf32, #tpu.memory_space<vmem>>, vector<16xf32>,
        tpu.vector_store %arg9[%swap3A_399, %swap3A_400], %max3A_398 {strides = array<i32>} : memref<160x128xf32, #tpu.memory_space<vmem>>, vector<16xf32>,
        %add3A_402 = arith.addf %scan3A_210, %max3A_398 : vector<16xf32>
        %mul3A_403 = arith.mulf %max3A_398, %max3A_398 : vector<16xf32>
        %add3A_404 = arith.addf %scan3A_218, %mul3A_403 : vector<16xf32>
        %mul3A_405 = arith.constant 3 : i32
        %mul3A_406 = arith.muli %mul3A_405, %scan3A_204 : i32
        %get3A_407 = arith.index_cast %mul3A_406 : i32 to index
        %get3A_408 = arith.constant 96 : index
        %get3A_409 = tpu.vector_load %arg7[%get3A_407, %get3A_408] {strides = array<i32>} : memref<480x128xf32, #tpu.memory_space<vmem>>, vector<16xf32>,
        %mul3A_410 = arith.constant 3 : i32
        %mul3A_411 = arith.muli %mul3A_410, %scan3A_204 : i32
        %add3A_412 = arith.constant 1 : i32
        %add3A_413 = arith.addi %mul3A_411, %add3A_412 : i32
        %get3A_414 = arith.index_cast %add3A_413 : i32 to index
        %get3A_415 = arith.constant 96 : index
        %get3A_416 = tpu.vector_load %arg7[%get3A_414, %get3A_415] {strides = array<i32>} : memref<480x128xf32, #tpu.memory_space<vmem>>, vector<16xf32>,
        %max3A_417 = arith.maximumf %get3A_409, %get3A_416 : vector<16xf32>
        %mul3A_418 = arith.constant 3 : i32
        %mul3A_419 = arith.muli %mul3A_418, %scan3A_204 : i32
        %add3A_420 = arith.constant 2 : i32
        %add3A_421 = arith.addi %mul3A_419, %add3A_420 : i32
        %get3A_422 = arith.index_cast %add3A_421 : i32 to index
        %get3A_423 = arith.constant 96 : index
        %get3A_424 = tpu.vector_load %arg7[%get3A_422, %get3A_423] {strides = array<i32>} : memref<480x128xf32, #tpu.memory_space<vmem>>, vector<16xf32>,
        %get3A_425 = arith.index_cast %scan3A_204 : i32 to index
        %get3A_426 = arith.constant 96 : index
        %get3A_427 = tpu.vector_load %arg8[%get3A_425, %get3A_426] {strides = array<i32>} : memref<160x128xf32, #tpu.memory_space<vmem>>, vector<16xf32>,
        %max3A_428 = arith.maximumf %get3A_424, %get3A_427 : vector<16xf32>
        %max3A_429 = arith.maximumf %max3A_417, %max3A_428 : vector<16xf32>
        %swap3A_430 = arith.index_cast %scan3A_204 : i32 to index
        %swap3A_431 = arith.constant 96 : index
        %swap3A_432 = tpu.vector_load %arg9[%swap3A_430, %swap3A_431] {strides = array<i32>} : memref<160x128xf32, #tpu.memory_space<vmem>>, vector<16xf32>,
        tpu.vector_store %arg9[%swap3A_430, %swap3A_431], %max3A_429 {strides = array<i32>} : memref<160x128xf32, #tpu.memory_space<vmem>>, vector<16xf32>,
        %add3A_433 = arith.addf %scan3A_211, %max3A_429 : vector<16xf32>
        %mul3A_434 = arith.mulf %max3A_429, %max3A_429 : vector<16xf32>
        %add3A_435 = arith.addf %scan3A_219, %mul3A_434 : vector<16xf32>
        %mul3A_436 = arith.constant 3 : i32
        %mul3A_437 = arith.muli %mul3A_436, %scan3A_204 : i32
        %get3A_438 = arith.index_cast %mul3A_437 : i32 to index
        %get3A_439 = arith.constant 112 : index
        %get3A_440 = tpu.vector_load %arg7[%get3A_438, %get3A_439] {strides = array<i32>} : memref<480x128xf32, #tpu.memory_space<vmem>>, vector<16xf32>,
        %mul3A_441 = arith.constant 3 : i32
        %mul3A_442 = arith.muli %mul3A_441, %scan3A_204 : i32
        %add3A_443 = arith.constant 1 : i32
        %add3A_444 = arith.addi %mul3A_442, %add3A_443 : i32
        %get3A_445 = arith.index_cast %add3A_444 : i32 to index
        %get3A_446 = arith.constant 112 : index
        %get3A_447 = tpu.vector_load %arg7[%get3A_445, %get3A_446] {strides = array<i32>} : memref<480x128xf32, #tpu.memory_space<vmem>>, vector<16xf32>,
        %max3A_448 = arith.maximumf %get3A_440, %get3A_447 : vector<16xf32>
        %mul3A_449 = arith.constant 3 : i32
        %mul3A_450 = arith.muli %mul3A_449, %scan3A_204 : i32
        %add3A_451 = arith.constant 2 : i32
        %add3A_452 = arith.addi %mul3A_450, %add3A_451 : i32
        %get3A_453 = arith.index_cast %add3A_452 : i32 to index
        %get3A_454 = arith.constant 112 : index
        %get3A_455 = tpu.vector_load %arg7[%get3A_453, %get3A_454] {strides = array<i32>} : memref<480x128xf32, #tpu.memory_space<vmem>>, vector<16xf32>,
        %get3A_456 = arith.index_cast %scan3A_204 : i32 to index
        %get3A_457 = arith.constant 112 : index
        %get3A_458 = tpu.vector_load %arg8[%get3A_456, %get3A_457] {strides = array<i32>} : memref<160x128xf32, #tpu.memory_space<vmem>>, vector<16xf32>,
        %max3A_459 = arith.maximumf %get3A_455, %get3A_458 : vector<16xf32>
        %max3A_460 = arith.maximumf %max3A_448, %max3A_459 : vector<16xf32>
        %swap3A_461 = arith.index_cast %scan3A_204 : i32 to index
        %swap3A_462 = arith.constant 112 : index
        %swap3A_463 = tpu.vector_load %arg9[%swap3A_461, %swap3A_462] {strides = array<i32>} : memref<160x128xf32, #tpu.memory_space<vmem>>, vector<16xf32>,
        tpu.vector_store %arg9[%swap3A_461, %swap3A_462], %max3A_460 {strides = array<i32>} : memref<160x128xf32, #tpu.memory_space<vmem>>, vector<16xf32>,
        %add3A_464 = arith.addf %scan3A_212, %max3A_460 : vector<16xf32>
        %mul3A_465 = arith.mulf %max3A_460, %max3A_460 : vector<16xf32>
        %add3A_466 = arith.addf %scan3A_220, %mul3A_465 : vector<16xf32>
        scf.yield %add3A_247, %add3A_278, %add3A_309, %add3A_340, %add3A_371, %add3A_402, %add3A_433, %add3A_464, %add3A_249, %add3A_280, %add3A_311, %add3A_342, %add3A_373, %add3A_404, %add3A_435, %add3A_466 : vector<16xf32>, vector<16xf32>, vector<16xf32>, vector<16xf32>, vector<16xf32>, vector<16xf32>, vector<16xf32>, vector<16xf32>, vector<16xf32>, vector<16xf32>, vector<16xf32>, vector<16xf32>, vector<16xf32>, vector<16xf32>, vector<16xf32>, vector<16xf32>
      }
      %scan3A_203 = arith.constant 160 : i32
      "tpu.region"() ({
        %run_scoped3A = tpu.sem_alloc : memref<!tpu.dma_semaphore, #tpu.memory_space<semaphore_mem>>
        %dma_start3A_204 = arith.constant 0 : i32
        %dma_start3A_205 = tpu.memref_slice %arg4[%mul3A_118, %dma_start3A_204] : memref<200000x128xf32, #tpu.memory_space<hbm>> -> memref<160x128xf32, #tpu.memory_space<hbm>>
        %dma_start3A_206 = arith.constant 0 : i32
        %dma_start3A_207 = tpu.memref_slice %arg4[%mul3A_118, %dma_start3A_206] : memref<200000x128xf32, #tpu.memory_space<hbm>> -> memref<160x128xf32, #tpu.memory_space<hbm>>
        tpu.enqueue_dma source(%arg9 : memref<160x128xf32, #tpu.memory_space<vmem>>) target(%dma_start3A_207 : memref<160x128xf32, #tpu.memory_space<hbm>>) target_semaphore(%run_scoped3A : memref<!tpu.dma_semaphore, #tpu.memory_space<semaphore_mem>>)
        %dma_wait3A_208 = arith.constant 0 : i32
        %dma_wait3A_209 = tpu.memref_slice %arg4[%mul3A_118, %dma_wait3A_208] : memref<200000x128xf32, #tpu.memory_space<hbm>> -> memref<160x128xf32, #tpu.memory_space<hbm>>
        %dma_wait3A_210 = arith.constant 0 : i32
        %dma_wait3A_211 = tpu.memref_slice %arg4[%mul3A_118, %dma_wait3A_210] : memref<200000x128xf32, #tpu.memory_space<hbm>> -> memref<160x128xf32, #tpu.memory_space<hbm>>
        tpu.wait_dma2 semaphore(%run_scoped3A : memref<!tpu.dma_semaphore, #tpu.memory_space<semaphore_mem>>) src(%arg9 : memref<160x128xf32, #tpu.memory_space<vmem>>) dst(%dma_wait3A_211 : memref<160x128xf32, #tpu.memory_space<hbm>>)
        tpu.yield
      }) : () -> ()
      scf.yield %scan3A_202#0, %scan3A_202#1, %scan3A_202#2, %scan3A_202#3, %scan3A_202#4, %scan3A_202#5, %scan3A_202#6, %scan3A_202#7, %scan3A_202#8, %scan3A_202#9, %scan3A_202#10, %scan3A_202#11, %scan3A_202#12, %scan3A_202#13, %scan3A_202#14, %scan3A_202#15 : vector<16xf32>, vector<16xf32>, vector<16xf32>, vector<16xf32>, vector<16xf32>, vector<16xf32>, vector<16xf32>, vector<16xf32>, vector<16xf32>, vector<16xf32>, vector<16xf32>, vector<16xf32>, vector<16xf32>, vector<16xf32>, vector<16xf32>, vector<16xf32>
    }
    %while3A_32 = arith.constant 1 : i32
    %while3A_33:16 = scf.for %while3A_97 = %while3A_29 to %while3A_25 step %while3A_32 iter_args(%while3A_98 = %while3A_31#0, %while3A_99 = %while3A_31#1, %while3A_100 = %while3A_31#2, %while3A_101 = %while3A_31#3, %while3A_102 = %while3A_31#4, %while3A_103 = %while3A_31#5, %while3A_104 = %while3A_31#6, %while3A_105 = %while3A_31#7, %while3A_106 = %while3A_31#8, %while3A_107 = %while3A_31#9, %while3A_108 = %while3A_31#10, %while3A_109 = %while3A_31#11, %while3A_110 = %while3A_31#12, %while3A_111 = %while3A_31#13, %while3A_112 = %while3A_31#14, %while3A_113 = %while3A_31#15) -> (vector<16xf32>, vector<16xf32>, vector<16xf32>, vector<16xf32>, vector<16xf32>, vector<16xf32>, vector<16xf32>, vector<16xf32>, vector<16xf32>, vector<16xf32>, vector<16xf32>, vector<16xf32>, vector<16xf32>, vector<16xf32>, vector<16xf32>, vector<16xf32>)  : i32 {
      %mul3A_114 = arith.constant 32 : i32
      %mul3A_115 = arith.muli %while3A_97, %mul3A_114 : i32
      %add3A_116 = arith.addi %add3A, %mul3A_115 : i32
      %mul3A_117 = arith.constant 160 : i32
      %mul3A_118 = arith.muli %add3A_116, %mul3A_117 : i32
      %mul3A_119 = arith.constant 3 : i32
      %mul3A_120 = arith.muli %mul3A_118, %mul3A_119 : i32
      "tpu.region"() ({
        %run_scoped3A = tpu.sem_alloc : memref<!tpu.dma_semaphore, #tpu.memory_space<semaphore_mem>>
        %dma_start3A_204 = tpu.memref_slice %arg2[%mul3A_120] : memref<600000xi32, #tpu.memory_space<hbm>> -> memref<480xi32, #tpu.memory_space<hbm>>
        %dma_start3A_205 = tpu.memref_slice %arg2[%mul3A_120] : memref<600000xi32, #tpu.memory_space<hbm>> -> memref<480xi32, #tpu.memory_space<hbm>>
        tpu.enqueue_dma source(%dma_start3A_205 : memref<480xi32, #tpu.memory_space<hbm>>) target(%arg6 : memref<480xi32, #tpu.memory_space<vmem>>) target_semaphore(%run_scoped3A : memref<!tpu.dma_semaphore, #tpu.memory_space<semaphore_mem>>)
        %dma_wait3A_206 = tpu.memref_slice %arg2[%mul3A_120] : memref<600000xi32, #tpu.memory_space<hbm>> -> memref<480xi32, #tpu.memory_space<hbm>>
        %dma_wait3A_207 = tpu.memref_slice %arg2[%mul3A_120] : memref<600000xi32, #tpu.memory_space<hbm>> -> memref<480xi32, #tpu.memory_space<hbm>>
        tpu.wait_dma2 semaphore(%run_scoped3A : memref<!tpu.dma_semaphore, #tpu.memory_space<semaphore_mem>>) src(%dma_wait3A_207 : memref<480xi32, #tpu.memory_space<hbm>>) dst(%arg6 : memref<480xi32, #tpu.memory_space<vmem>>)
        tpu.yield
      }) : () -> ()
      %dma_start3A = arith.constant 0 : i32
      %dma_start3A_121 = arith.constant 0 : i32
      %dma_start3A_122 = tpu.memref_slice %arg7[%dma_start3A, %dma_start3A_121] : memref<480x128xf32, #tpu.memory_space<vmem>> -> memref<96x128xf32, #tpu.memory_space<vmem>>
      %dma_start3A_123 = arith.constant 0 : i32
      %dma_start3A_124 = tpu.memref_slice %arg6[%dma_start3A_123] : memref<480xi32, #tpu.memory_space<vmem>> -> memref<96xi32, #tpu.memory_space<vmem>>
      %dma_start3A_125 = arith.constant 0 : i32
      %dma_start3A_126 = arith.constant 0 : i32
      %dma_start3A_127 = tpu.memref_slice %arg3[%dma_start3A_125, %dma_start3A_126] : memref<200000x128xf32, #tpu.memory_space<hbm>> -> memref<200000x128xf32, #tpu.memory_space<hbm>>
      tpu.enqueue_indirect_dma source(%dma_start3A_127 : memref<200000x128xf32, #tpu.memory_space<hbm>>) target(%dma_start3A_122 : memref<96x128xf32, #tpu.memory_space<vmem>>) offsets(%dma_start3A_124 : memref<96xi32, #tpu.memory_space<vmem>>) semaphore(%arg11 : memref<!tpu.dma_semaphore, #tpu.memory_space<semaphore_mem>>)
      %dma_start3A_128 = arith.constant 96 : i32
      %dma_start3A_129 = arith.constant 0 : i32
      %dma_start3A_130 = tpu.memref_slice %arg7[%dma_start3A_128, %dma_start3A_129] : memref<480x128xf32, #tpu.memory_space<vmem>> -> memref<96x128xf32, #tpu.memory_space<vmem>>
      %dma_start3A_131 = arith.constant 96 : i32
      %dma_start3A_132 = tpu.memref_slice %arg6[%dma_start3A_131] : memref<480xi32, #tpu.memory_space<vmem>> -> memref<96xi32, #tpu.memory_space<vmem>>
      %dma_start3A_133 = arith.constant 0 : i32
      %dma_start3A_134 = arith.constant 0 : i32
      %dma_start3A_135 = tpu.memref_slice %arg3[%dma_start3A_133, %dma_start3A_134] : memref<200000x128xf32, #tpu.memory_space<hbm>> -> memref<200000x128xf32, #tpu.memory_space<hbm>>
      tpu.enqueue_indirect_dma source(%dma_start3A_135 : memref<200000x128xf32, #tpu.memory_space<hbm>>) target(%dma_start3A_130 : memref<96x128xf32, #tpu.memory_space<vmem>>) offsets(%dma_start3A_132 : memref<96xi32, #tpu.memory_space<vmem>>) semaphore(%arg11 : memref<!tpu.dma_semaphore, #tpu.memory_space<semaphore_mem>>)
      %dma_start3A_136 = arith.constant 192 : i32
      %dma_start3A_137 = arith.constant 0 : i32
      %dma_start3A_138 = tpu.memref_slice %arg7[%dma_start3A_136, %dma_start3A_137] : memref<480x128xf32, #tpu.memory_space<vmem>> -> memref<96x128xf32, #tpu.memory_space<vmem>>
      %dma_start3A_139 = arith.constant 192 : i32
      %dma_start3A_140 = tpu.memref_slice %arg6[%dma_start3A_139] : memref<480xi32, #tpu.memory_space<vmem>> -> memref<96xi32, #tpu.memory_space<vmem>>
      %dma_start3A_141 = arith.constant 0 : i32
      %dma_start3A_142 = arith.constant 0 : i32
      %dma_start3A_143 = tpu.memref_slice %arg3[%dma_start3A_141, %dma_start3A_142] : memref<200000x128xf32, #tpu.memory_space<hbm>> -> memref<200000x128xf32, #tpu.memory_space<hbm>>
      tpu.enqueue_indirect_dma source(%dma_start3A_143 : memref<200000x128xf32, #tpu.memory_space<hbm>>) target(%dma_start3A_138 : memref<96x128xf32, #tpu.memory_space<vmem>>) offsets(%dma_start3A_140 : memref<96xi32, #tpu.memory_space<vmem>>) semaphore(%arg11 : memref<!tpu.dma_semaphore, #tpu.memory_space<semaphore_mem>>)
      %dma_start3A_144 = arith.constant 288 : i32
      %dma_start3A_145 = arith.constant 0 : i32
      %dma_start3A_146 = tpu.memref_slice %arg7[%dma_start3A_144, %dma_start3A_145] : memref<480x128xf32, #tpu.memory_space<vmem>> -> memref<96x128xf32, #tpu.memory_space<vmem>>
      %dma_start3A_147 = arith.constant 288 : i32
      %dma_start3A_148 = tpu.memref_slice %arg6[%dma_start3A_147] : memref<480xi32, #tpu.memory_space<vmem>> -> memref<96xi32, #tpu.memory_space<vmem>>
      %dma_start3A_149 = arith.constant 0 : i32
      %dma_start3A_150 = arith.constant 0 : i32
      %dma_start3A_151 = tpu.memref_slice %arg3[%dma_start3A_149, %dma_start3A_150] : memref<200000x128xf32, #tpu.memory_space<hbm>> -> memref<200000x128xf32, #tpu.memory_space<hbm>>
      tpu.enqueue_indirect_dma source(%dma_start3A_151 : memref<200000x128xf32, #tpu.memory_space<hbm>>) target(%dma_start3A_146 : memref<96x128xf32, #tpu.memory_space<vmem>>) offsets(%dma_start3A_148 : memref<96xi32, #tpu.memory_space<vmem>>) semaphore(%arg11 : memref<!tpu.dma_semaphore, #tpu.memory_space<semaphore_mem>>)
      %dma_start3A_152 = arith.constant 384 : i32
      %dma_start3A_153 = arith.constant 0 : i32
      %dma_start3A_154 = tpu.memref_slice %arg7[%dma_start3A_152, %dma_start3A_153] : memref<480x128xf32, #tpu.memory_space<vmem>> -> memref<96x128xf32, #tpu.memory_space<vmem>>
      %dma_start3A_155 = arith.constant 384 : i32
      %dma_start3A_156 = tpu.memref_slice %arg6[%dma_start3A_155] : memref<480xi32, #tpu.memory_space<vmem>> -> memref<96xi32, #tpu.memory_space<vmem>>
      %dma_start3A_157 = arith.constant 0 : i32
      %dma_start3A_158 = arith.constant 0 : i32
      %dma_start3A_159 = tpu.memref_slice %arg3[%dma_start3A_157, %dma_start3A_158] : memref<200000x128xf32, #tpu.memory_space<hbm>> -> memref<200000x128xf32, #tpu.memory_space<hbm>>
      tpu.enqueue_indirect_dma source(%dma_start3A_159 : memref<200000x128xf32, #tpu.memory_space<hbm>>) target(%dma_start3A_154 : memref<96x128xf32, #tpu.memory_space<vmem>>) offsets(%dma_start3A_156 : memref<96xi32, #tpu.memory_space<vmem>>) semaphore(%arg11 : memref<!tpu.dma_semaphore, #tpu.memory_space<semaphore_mem>>)
      "tpu.region"() ({
        %run_scoped3A = tpu.sem_alloc : memref<!tpu.dma_semaphore, #tpu.memory_space<semaphore_mem>>
        %dma_start3A_204 = arith.constant 0 : i32
        %dma_start3A_205 = tpu.memref_slice %arg3[%mul3A_118, %dma_start3A_204] : memref<200000x128xf32, #tpu.memory_space<hbm>> -> memref<160x128xf32, #tpu.memory_space<hbm>>
        %dma_start3A_206 = arith.constant 0 : i32
        %dma_start3A_207 = tpu.memref_slice %arg3[%mul3A_118, %dma_start3A_206] : memref<200000x128xf32, #tpu.memory_space<hbm>> -> memref<160x128xf32, #tpu.memory_space<hbm>>
        tpu.enqueue_dma source(%dma_start3A_207 : memref<160x128xf32, #tpu.memory_space<hbm>>) target(%arg8 : memref<160x128xf32, #tpu.memory_space<vmem>>) target_semaphore(%run_scoped3A : memref<!tpu.dma_semaphore, #tpu.memory_space<semaphore_mem>>)
        %dma_wait3A_208 = arith.constant 0 : i32
        %dma_wait3A_209 = tpu.memref_slice %arg3[%mul3A_118, %dma_wait3A_208] : memref<200000x128xf32, #tpu.memory_space<hbm>> -> memref<160x128xf32, #tpu.memory_space<hbm>>
        %dma_wait3A_210 = arith.constant 0 : i32
        %dma_wait3A_211 = tpu.memref_slice %arg3[%mul3A_118, %dma_wait3A_210] : memref<200000x128xf32, #tpu.memory_space<hbm>> -> memref<160x128xf32, #tpu.memory_space<hbm>>
        tpu.wait_dma2 semaphore(%run_scoped3A : memref<!tpu.dma_semaphore, #tpu.memory_space<semaphore_mem>>) src(%dma_wait3A_211 : memref<160x128xf32, #tpu.memory_space<hbm>>) dst(%arg8 : memref<160x128xf32, #tpu.memory_space<vmem>>)
        tpu.yield
      }) : () -> ()
      %dma_wait3A = arith.constant 0 : i32
      %dma_wait3A_160 = arith.constant 0 : i32
      %dma_wait3A_161 = tpu.memref_slice %arg7[%dma_wait3A, %dma_wait3A_160] : memref<480x128xf32, #tpu.memory_space<vmem>> -> memref<96x128xf32, #tpu.memory_space<vmem>>
      %dma_wait3A_162 = arith.constant 0 : i32
      %dma_wait3A_163 = tpu.memref_slice %arg6[%dma_wait3A_162] : memref<480xi32, #tpu.memory_space<vmem>> -> memref<96xi32, #tpu.memory_space<vmem>>
      %dma_wait3A_164 = arith.constant 0 : i32
      %dma_wait3A_165 = arith.constant 0 : i32
      %dma_wait3A_166 = tpu.memref_slice %arg3[%dma_wait3A_164, %dma_wait3A_165] : memref<200000x128xf32, #tpu.memory_space<hbm>> -> memref<200000x128xf32, #tpu.memory_space<hbm>>
      tpu.wait_indirect_dma semaphore(%arg11 : memref<!tpu.dma_semaphore, #tpu.memory_space<semaphore_mem>>) src(%dma_wait3A_166 : memref<200000x128xf32, #tpu.memory_space<hbm>>) dst(%dma_wait3A_161 : memref<96x128xf32, #tpu.memory_space<vmem>>)
      %dma_wait3A_167 = arith.constant 96 : i32
      %dma_wait3A_168 = arith.constant 0 : i32
      %dma_wait3A_169 = tpu.memref_slice %arg7[%dma_wait3A_167, %dma_wait3A_168] : memref<480x128xf32, #tpu.memory_space<vmem>> -> memref<96x128xf32, #tpu.memory_space<vmem>>
      %dma_wait3A_170 = arith.constant 96 : i32
      %dma_wait3A_171 = tpu.memref_slice %arg6[%dma_wait3A_170] : memref<480xi32, #tpu.memory_space<vmem>> -> memref<96xi32, #tpu.memory_space<vmem>>
      %dma_wait3A_172 = arith.constant 0 : i32
      %dma_wait3A_173 = arith.constant 0 : i32
      %dma_wait3A_174 = tpu.memref_slice %arg3[%dma_wait3A_172, %dma_wait3A_173] : memref<200000x128xf32, #tpu.memory_space<hbm>> -> memref<200000x128xf32, #tpu.memory_space<hbm>>
      tpu.wait_indirect_dma semaphore(%arg11 : memref<!tpu.dma_semaphore, #tpu.memory_space<semaphore_mem>>) src(%dma_wait3A_174 : memref<200000x128xf32, #tpu.memory_space<hbm>>) dst(%dma_wait3A_169 : memref<96x128xf32, #tpu.memory_space<vmem>>)
      %dma_wait3A_175 = arith.constant 192 : i32
      %dma_wait3A_176 = arith.constant 0 : i32
      %dma_wait3A_177 = tpu.memref_slice %arg7[%dma_wait3A_175, %dma_wait3A_176] : memref<480x128xf32, #tpu.memory_space<vmem>> -> memref<96x128xf32, #tpu.memory_space<vmem>>
      %dma_wait3A_178 = arith.constant 192 : i32
      %dma_wait3A_179 = tpu.memref_slice %arg6[%dma_wait3A_178] : memref<480xi32, #tpu.memory_space<vmem>> -> memref<96xi32, #tpu.memory_space<vmem>>
      %dma_wait3A_180 = arith.constant 0 : i32
      %dma_wait3A_181 = arith.constant 0 : i32
      %dma_wait3A_182 = tpu.memref_slice %arg3[%dma_wait3A_180, %dma_wait3A_181] : memref<200000x128xf32, #tpu.memory_space<hbm>> -> memref<200000x128xf32, #tpu.memory_space<hbm>>
      tpu.wait_indirect_dma semaphore(%arg11 : memref<!tpu.dma_semaphore, #tpu.memory_space<semaphore_mem>>) src(%dma_wait3A_182 : memref<200000x128xf32, #tpu.memory_space<hbm>>) dst(%dma_wait3A_177 : memref<96x128xf32, #tpu.memory_space<vmem>>)
      %dma_wait3A_183 = arith.constant 288 : i32
      %dma_wait3A_184 = arith.constant 0 : i32
      %dma_wait3A_185 = tpu.memref_slice %arg7[%dma_wait3A_183, %dma_wait3A_184] : memref<480x128xf32, #tpu.memory_space<vmem>> -> memref<96x128xf32, #tpu.memory_space<vmem>>
      %dma_wait3A_186 = arith.constant 288 : i32
      %dma_wait3A_187 = tpu.memref_slice %arg6[%dma_wait3A_186] : memref<480xi32, #tpu.memory_space<vmem>> -> memref<96xi32, #tpu.memory_space<vmem>>
      %dma_wait3A_188 = arith.constant 0 : i32
      %dma_wait3A_189 = arith.constant 0 : i32
      %dma_wait3A_190 = tpu.memref_slice %arg3[%dma_wait3A_188, %dma_wait3A_189] : memref<200000x128xf32, #tpu.memory_space<hbm>> -> memref<200000x128xf32, #tpu.memory_space<hbm>>
      tpu.wait_indirect_dma semaphore(%arg11 : memref<!tpu.dma_semaphore, #tpu.memory_space<semaphore_mem>>) src(%dma_wait3A_190 : memref<200000x128xf32, #tpu.memory_space<hbm>>) dst(%dma_wait3A_185 : memref<96x128xf32, #tpu.memory_space<vmem>>)
      %dma_wait3A_191 = arith.constant 384 : i32
      %dma_wait3A_192 = arith.constant 0 : i32
      %dma_wait3A_193 = tpu.memref_slice %arg7[%dma_wait3A_191, %dma_wait3A_192] : memref<480x128xf32, #tpu.memory_space<vmem>> -> memref<96x128xf32, #tpu.memory_space<vmem>>
      %dma_wait3A_194 = arith.constant 384 : i32
      %dma_wait3A_195 = tpu.memref_slice %arg6[%dma_wait3A_194] : memref<480xi32, #tpu.memory_space<vmem>> -> memref<96xi32, #tpu.memory_space<vmem>>
      %dma_wait3A_196 = arith.constant 0 : i32
      %dma_wait3A_197 = arith.constant 0 : i32
      %dma_wait3A_198 = tpu.memref_slice %arg3[%dma_wait3A_196, %dma_wait3A_197] : memref<200000x128xf32, #tpu.memory_space<hbm>> -> memref<200000x128xf32, #tpu.memory_space<hbm>>
      tpu.wait_indirect_dma semaphore(%arg11 : memref<!tpu.dma_semaphore, #tpu.memory_space<semaphore_mem>>) src(%dma_wait3A_198 : memref<200000x128xf32, #tpu.memory_space<hbm>>) dst(%dma_wait3A_193 : memref<96x128xf32, #tpu.memory_space<vmem>>)
      %scan3A = arith.constant 0 : i32
      %scan3A_199 = arith.constant 160 : i32
      %scan3A_200 = arith.addi %scan3A, %scan3A_199 : i32
      %scan3A_201 = arith.constant 1 : i32
      %scan3A_202:16 = scf.for %scan3A_204 = %scan3A to %scan3A_200 step %scan3A_201 iter_args(%scan3A_205 = %while3A_98, %scan3A_206 = %while3A_99, %scan3A_207 = %while3A_100, %scan3A_208 = %while3A_101, %scan3A_209 = %while3A_102, %scan3A_210 = %while3A_103, %scan3A_211 = %while3A_104, %scan3A_212 = %while3A_105, %scan3A_213 = %while3A_106, %scan3A_214 = %while3A_107, %scan3A_215 = %while3A_108, %scan3A_216 = %while3A_109, %scan3A_217 = %while3A_110, %scan3A_218 = %while3A_111, %scan3A_219 = %while3A_112, %scan3A_220 = %while3A_113) -> (vector<16xf32>, vector<16xf32>, vector<16xf32>, vector<16xf32>, vector<16xf32>, vector<16xf32>, vector<16xf32>, vector<16xf32>, vector<16xf32>, vector<16xf32>, vector<16xf32>, vector<16xf32>, vector<16xf32>, vector<16xf32>, vector<16xf32>, vector<16xf32>)  : i32 {
        %mul3A_221 = arith.constant 3 : i32
        %mul3A_222 = arith.muli %mul3A_221, %scan3A_204 : i32
        %get3A = arith.index_cast %mul3A_222 : i32 to index
        %get3A_223 = arith.constant 0 : index
        %get3A_224 = tpu.vector_load %arg7[%get3A, %get3A_223] {strides = array<i32>} : memref<480x128xf32, #tpu.memory_space<vmem>>, vector<16xf32>,
        %mul3A_225 = arith.constant 3 : i32
        %mul3A_226 = arith.muli %mul3A_225, %scan3A_204 : i32
        %add3A_227 = arith.constant 1 : i32
        %add3A_228 = arith.addi %mul3A_226, %add3A_227 : i32
        %get3A_229 = arith.index_cast %add3A_228 : i32 to index
        %get3A_230 = arith.constant 0 : index
        %get3A_231 = tpu.vector_load %arg7[%get3A_229, %get3A_230] {strides = array<i32>} : memref<480x128xf32, #tpu.memory_space<vmem>>, vector<16xf32>,
        %max3A = arith.maximumf %get3A_224, %get3A_231 : vector<16xf32>
        %mul3A_232 = arith.constant 3 : i32
        %mul3A_233 = arith.muli %mul3A_232, %scan3A_204 : i32
        %add3A_234 = arith.constant 2 : i32
        %add3A_235 = arith.addi %mul3A_233, %add3A_234 : i32
        %get3A_236 = arith.index_cast %add3A_235 : i32 to index
        %get3A_237 = arith.constant 0 : index
        %get3A_238 = tpu.vector_load %arg7[%get3A_236, %get3A_237] {strides = array<i32>} : memref<480x128xf32, #tpu.memory_space<vmem>>, vector<16xf32>,
        %get3A_239 = arith.index_cast %scan3A_204 : i32 to index
        %get3A_240 = arith.constant 0 : index
        %get3A_241 = tpu.vector_load %arg8[%get3A_239, %get3A_240] {strides = array<i32>} : memref<160x128xf32, #tpu.memory_space<vmem>>, vector<16xf32>,
        %max3A_242 = arith.maximumf %get3A_238, %get3A_241 : vector<16xf32>
        %max3A_243 = arith.maximumf %max3A, %max3A_242 : vector<16xf32>
        %swap3A_244 = arith.index_cast %scan3A_204 : i32 to index
        %swap3A_245 = arith.constant 0 : index
        %swap3A_246 = tpu.vector_load %arg9[%swap3A_244, %swap3A_245] {strides = array<i32>} : memref<160x128xf32, #tpu.memory_space<vmem>>, vector<16xf32>,
        tpu.vector_store %arg9[%swap3A_244, %swap3A_245], %max3A_243 {strides = array<i32>} : memref<160x128xf32, #tpu.memory_space<vmem>>, vector<16xf32>,
        %add3A_247 = arith.addf %scan3A_205, %max3A_243 : vector<16xf32>
        %mul3A_248 = arith.mulf %max3A_243, %max3A_243 : vector<16xf32>
        %add3A_249 = arith.addf %scan3A_213, %mul3A_248 : vector<16xf32>
        %mul3A_250 = arith.constant 3 : i32
        %mul3A_251 = arith.muli %mul3A_250, %scan3A_204 : i32
        %get3A_252 = arith.index_cast %mul3A_251 : i32 to index
        %get3A_253 = arith.constant 16 : index
        %get3A_254 = tpu.vector_load %arg7[%get3A_252, %get3A_253] {strides = array<i32>} : memref<480x128xf32, #tpu.memory_space<vmem>>, vector<16xf32>,
        %mul3A_255 = arith.constant 3 : i32
        %mul3A_256 = arith.muli %mul3A_255, %scan3A_204 : i32
        %add3A_257 = arith.constant 1 : i32
        %add3A_258 = arith.addi %mul3A_256, %add3A_257 : i32
        %get3A_259 = arith.index_cast %add3A_258 : i32 to index
        %get3A_260 = arith.constant 16 : index
        %get3A_261 = tpu.vector_load %arg7[%get3A_259, %get3A_260] {strides = array<i32>} : memref<480x128xf32, #tpu.memory_space<vmem>>, vector<16xf32>,
        %max3A_262 = arith.maximumf %get3A_254, %get3A_261 : vector<16xf32>
        %mul3A_263 = arith.constant 3 : i32
        %mul3A_264 = arith.muli %mul3A_263, %scan3A_204 : i32
        %add3A_265 = arith.constant 2 : i32
        %add3A_266 = arith.addi %mul3A_264, %add3A_265 : i32
        %get3A_267 = arith.index_cast %add3A_266 : i32 to index
        %get3A_268 = arith.constant 16 : index
        %get3A_269 = tpu.vector_load %arg7[%get3A_267, %get3A_268] {strides = array<i32>} : memref<480x128xf32, #tpu.memory_space<vmem>>, vector<16xf32>,
        %get3A_270 = arith.index_cast %scan3A_204 : i32 to index
        %get3A_271 = arith.constant 16 : index
        %get3A_272 = tpu.vector_load %arg8[%get3A_270, %get3A_271] {strides = array<i32>} : memref<160x128xf32, #tpu.memory_space<vmem>>, vector<16xf32>,
        %max3A_273 = arith.maximumf %get3A_269, %get3A_272 : vector<16xf32>
        %max3A_274 = arith.maximumf %max3A_262, %max3A_273 : vector<16xf32>
        %swap3A_275 = arith.index_cast %scan3A_204 : i32 to index
        %swap3A_276 = arith.constant 16 : index
        %swap3A_277 = tpu.vector_load %arg9[%swap3A_275, %swap3A_276] {strides = array<i32>} : memref<160x128xf32, #tpu.memory_space<vmem>>, vector<16xf32>,
        tpu.vector_store %arg9[%swap3A_275, %swap3A_276], %max3A_274 {strides = array<i32>} : memref<160x128xf32, #tpu.memory_space<vmem>>, vector<16xf32>,
        %add3A_278 = arith.addf %scan3A_206, %max3A_274 : vector<16xf32>
        %mul3A_279 = arith.mulf %max3A_274, %max3A_274 : vector<16xf32>
        %add3A_280 = arith.addf %scan3A_214, %mul3A_279 : vector<16xf32>
        %mul3A_281 = arith.constant 3 : i32
        %mul3A_282 = arith.muli %mul3A_281, %scan3A_204 : i32
        %get3A_283 = arith.index_cast %mul3A_282 : i32 to index
        %get3A_284 = arith.constant 32 : index
        %get3A_285 = tpu.vector_load %arg7[%get3A_283, %get3A_284] {strides = array<i32>} : memref<480x128xf32, #tpu.memory_space<vmem>>, vector<16xf32>,
        %mul3A_286 = arith.constant 3 : i32
        %mul3A_287 = arith.muli %mul3A_286, %scan3A_204 : i32
        %add3A_288 = arith.constant 1 : i32
        %add3A_289 = arith.addi %mul3A_287, %add3A_288 : i32
        %get3A_290 = arith.index_cast %add3A_289 : i32 to index
        %get3A_291 = arith.constant 32 : index
        %get3A_292 = tpu.vector_load %arg7[%get3A_290, %get3A_291] {strides = array<i32>} : memref<480x128xf32, #tpu.memory_space<vmem>>, vector<16xf32>,
        %max3A_293 = arith.maximumf %get3A_285, %get3A_292 : vector<16xf32>
        %mul3A_294 = arith.constant 3 : i32
        %mul3A_295 = arith.muli %mul3A_294, %scan3A_204 : i32
        %add3A_296 = arith.constant 2 : i32
        %add3A_297 = arith.addi %mul3A_295, %add3A_296 : i32
        %get3A_298 = arith.index_cast %add3A_297 : i32 to index
        %get3A_299 = arith.constant 32 : index
        %get3A_300 = tpu.vector_load %arg7[%get3A_298, %get3A_299] {strides = array<i32>} : memref<480x128xf32, #tpu.memory_space<vmem>>, vector<16xf32>,
        %get3A_301 = arith.index_cast %scan3A_204 : i32 to index
        %get3A_302 = arith.constant 32 : index
        %get3A_303 = tpu.vector_load %arg8[%get3A_301, %get3A_302] {strides = array<i32>} : memref<160x128xf32, #tpu.memory_space<vmem>>, vector<16xf32>,
        %max3A_304 = arith.maximumf %get3A_300, %get3A_303 : vector<16xf32>
        %max3A_305 = arith.maximumf %max3A_293, %max3A_304 : vector<16xf32>
        %swap3A_306 = arith.index_cast %scan3A_204 : i32 to index
        %swap3A_307 = arith.constant 32 : index
        %swap3A_308 = tpu.vector_load %arg9[%swap3A_306, %swap3A_307] {strides = array<i32>} : memref<160x128xf32, #tpu.memory_space<vmem>>, vector<16xf32>,
        tpu.vector_store %arg9[%swap3A_306, %swap3A_307], %max3A_305 {strides = array<i32>} : memref<160x128xf32, #tpu.memory_space<vmem>>, vector<16xf32>,
        %add3A_309 = arith.addf %scan3A_207, %max3A_305 : vector<16xf32>
        %mul3A_310 = arith.mulf %max3A_305, %max3A_305 : vector<16xf32>
        %add3A_311 = arith.addf %scan3A_215, %mul3A_310 : vector<16xf32>
        %mul3A_312 = arith.constant 3 : i32
        %mul3A_313 = arith.muli %mul3A_312, %scan3A_204 : i32
        %get3A_314 = arith.index_cast %mul3A_313 : i32 to index
        %get3A_315 = arith.constant 48 : index
        %get3A_316 = tpu.vector_load %arg7[%get3A_314, %get3A_315] {strides = array<i32>} : memref<480x128xf32, #tpu.memory_space<vmem>>, vector<16xf32>,
        %mul3A_317 = arith.constant 3 : i32
        %mul3A_318 = arith.muli %mul3A_317, %scan3A_204 : i32
        %add3A_319 = arith.constant 1 : i32
        %add3A_320 = arith.addi %mul3A_318, %add3A_319 : i32
        %get3A_321 = arith.index_cast %add3A_320 : i32 to index
        %get3A_322 = arith.constant 48 : index
        %get3A_323 = tpu.vector_load %arg7[%get3A_321, %get3A_322] {strides = array<i32>} : memref<480x128xf32, #tpu.memory_space<vmem>>, vector<16xf32>,
        %max3A_324 = arith.maximumf %get3A_316, %get3A_323 : vector<16xf32>
        %mul3A_325 = arith.constant 3 : i32
        %mul3A_326 = arith.muli %mul3A_325, %scan3A_204 : i32
        %add3A_327 = arith.constant 2 : i32
        %add3A_328 = arith.addi %mul3A_326, %add3A_327 : i32
        %get3A_329 = arith.index_cast %add3A_328 : i32 to index
        %get3A_330 = arith.constant 48 : index
        %get3A_331 = tpu.vector_load %arg7[%get3A_329, %get3A_330] {strides = array<i32>} : memref<480x128xf32, #tpu.memory_space<vmem>>, vector<16xf32>,
        %get3A_332 = arith.index_cast %scan3A_204 : i32 to index
        %get3A_333 = arith.constant 48 : index
        %get3A_334 = tpu.vector_load %arg8[%get3A_332, %get3A_333] {strides = array<i32>} : memref<160x128xf32, #tpu.memory_space<vmem>>, vector<16xf32>,
        %max3A_335 = arith.maximumf %get3A_331, %get3A_334 : vector<16xf32>
        %max3A_336 = arith.maximumf %max3A_324, %max3A_335 : vector<16xf32>
        %swap3A_337 = arith.index_cast %scan3A_204 : i32 to index
        %swap3A_338 = arith.constant 48 : index
        %swap3A_339 = tpu.vector_load %arg9[%swap3A_337, %swap3A_338] {strides = array<i32>} : memref<160x128xf32, #tpu.memory_space<vmem>>, vector<16xf32>,
        tpu.vector_store %arg9[%swap3A_337, %swap3A_338], %max3A_336 {strides = array<i32>} : memref<160x128xf32, #tpu.memory_space<vmem>>, vector<16xf32>,
        %add3A_340 = arith.addf %scan3A_208, %max3A_336 : vector<16xf32>
        %mul3A_341 = arith.mulf %max3A_336, %max3A_336 : vector<16xf32>
        %add3A_342 = arith.addf %scan3A_216, %mul3A_341 : vector<16xf32>
        %mul3A_343 = arith.constant 3 : i32
        %mul3A_344 = arith.muli %mul3A_343, %scan3A_204 : i32
        %get3A_345 = arith.index_cast %mul3A_344 : i32 to index
        %get3A_346 = arith.constant 64 : index
        %get3A_347 = tpu.vector_load %arg7[%get3A_345, %get3A_346] {strides = array<i32>} : memref<480x128xf32, #tpu.memory_space<vmem>>, vector<16xf32>,
        %mul3A_348 = arith.constant 3 : i32
        %mul3A_349 = arith.muli %mul3A_348, %scan3A_204 : i32
        %add3A_350 = arith.constant 1 : i32
        %add3A_351 = arith.addi %mul3A_349, %add3A_350 : i32
        %get3A_352 = arith.index_cast %add3A_351 : i32 to index
        %get3A_353 = arith.constant 64 : index
        %get3A_354 = tpu.vector_load %arg7[%get3A_352, %get3A_353] {strides = array<i32>} : memref<480x128xf32, #tpu.memory_space<vmem>>, vector<16xf32>,
        %max3A_355 = arith.maximumf %get3A_347, %get3A_354 : vector<16xf32>
        %mul3A_356 = arith.constant 3 : i32
        %mul3A_357 = arith.muli %mul3A_356, %scan3A_204 : i32
        %add3A_358 = arith.constant 2 : i32
        %add3A_359 = arith.addi %mul3A_357, %add3A_358 : i32
        %get3A_360 = arith.index_cast %add3A_359 : i32 to index
        %get3A_361 = arith.constant 64 : index
        %get3A_362 = tpu.vector_load %arg7[%get3A_360, %get3A_361] {strides = array<i32>} : memref<480x128xf32, #tpu.memory_space<vmem>>, vector<16xf32>,
        %get3A_363 = arith.index_cast %scan3A_204 : i32 to index
        %get3A_364 = arith.constant 64 : index
        %get3A_365 = tpu.vector_load %arg8[%get3A_363, %get3A_364] {strides = array<i32>} : memref<160x128xf32, #tpu.memory_space<vmem>>, vector<16xf32>,
        %max3A_366 = arith.maximumf %get3A_362, %get3A_365 : vector<16xf32>
        %max3A_367 = arith.maximumf %max3A_355, %max3A_366 : vector<16xf32>
        %swap3A_368 = arith.index_cast %scan3A_204 : i32 to index
        %swap3A_369 = arith.constant 64 : index
        %swap3A_370 = tpu.vector_load %arg9[%swap3A_368, %swap3A_369] {strides = array<i32>} : memref<160x128xf32, #tpu.memory_space<vmem>>, vector<16xf32>,
        tpu.vector_store %arg9[%swap3A_368, %swap3A_369], %max3A_367 {strides = array<i32>} : memref<160x128xf32, #tpu.memory_space<vmem>>, vector<16xf32>,
        %add3A_371 = arith.addf %scan3A_209, %max3A_367 : vector<16xf32>
        %mul3A_372 = arith.mulf %max3A_367, %max3A_367 : vector<16xf32>
        %add3A_373 = arith.addf %scan3A_217, %mul3A_372 : vector<16xf32>
        %mul3A_374 = arith.constant 3 : i32
        %mul3A_375 = arith.muli %mul3A_374, %scan3A_204 : i32
        %get3A_376 = arith.index_cast %mul3A_375 : i32 to index
        %get3A_377 = arith.constant 80 : index
        %get3A_378 = tpu.vector_load %arg7[%get3A_376, %get3A_377] {strides = array<i32>} : memref<480x128xf32, #tpu.memory_space<vmem>>, vector<16xf32>,
        %mul3A_379 = arith.constant 3 : i32
        %mul3A_380 = arith.muli %mul3A_379, %scan3A_204 : i32
        %add3A_381 = arith.constant 1 : i32
        %add3A_382 = arith.addi %mul3A_380, %add3A_381 : i32
        %get3A_383 = arith.index_cast %add3A_382 : i32 to index
        %get3A_384 = arith.constant 80 : index
        %get3A_385 = tpu.vector_load %arg7[%get3A_383, %get3A_384] {strides = array<i32>} : memref<480x128xf32, #tpu.memory_space<vmem>>, vector<16xf32>,
        %max3A_386 = arith.maximumf %get3A_378, %get3A_385 : vector<16xf32>
        %mul3A_387 = arith.constant 3 : i32
        %mul3A_388 = arith.muli %mul3A_387, %scan3A_204 : i32
        %add3A_389 = arith.constant 2 : i32
        %add3A_390 = arith.addi %mul3A_388, %add3A_389 : i32
        %get3A_391 = arith.index_cast %add3A_390 : i32 to index
        %get3A_392 = arith.constant 80 : index
        %get3A_393 = tpu.vector_load %arg7[%get3A_391, %get3A_392] {strides = array<i32>} : memref<480x128xf32, #tpu.memory_space<vmem>>, vector<16xf32>,
        %get3A_394 = arith.index_cast %scan3A_204 : i32 to index
        %get3A_395 = arith.constant 80 : index
        %get3A_396 = tpu.vector_load %arg8[%get3A_394, %get3A_395] {strides = array<i32>} : memref<160x128xf32, #tpu.memory_space<vmem>>, vector<16xf32>,
        %max3A_397 = arith.maximumf %get3A_393, %get3A_396 : vector<16xf32>
        %max3A_398 = arith.maximumf %max3A_386, %max3A_397 : vector<16xf32>
        %swap3A_399 = arith.index_cast %scan3A_204 : i32 to index
        %swap3A_400 = arith.constant 80 : index
        %swap3A_401 = tpu.vector_load %arg9[%swap3A_399, %swap3A_400] {strides = array<i32>} : memref<160x128xf32, #tpu.memory_space<vmem>>, vector<16xf32>,
        tpu.vector_store %arg9[%swap3A_399, %swap3A_400], %max3A_398 {strides = array<i32>} : memref<160x128xf32, #tpu.memory_space<vmem>>, vector<16xf32>,
        %add3A_402 = arith.addf %scan3A_210, %max3A_398 : vector<16xf32>
        %mul3A_403 = arith.mulf %max3A_398, %max3A_398 : vector<16xf32>
        %add3A_404 = arith.addf %scan3A_218, %mul3A_403 : vector<16xf32>
        %mul3A_405 = arith.constant 3 : i32
        %mul3A_406 = arith.muli %mul3A_405, %scan3A_204 : i32
        %get3A_407 = arith.index_cast %mul3A_406 : i32 to index
        %get3A_408 = arith.constant 96 : index
        %get3A_409 = tpu.vector_load %arg7[%get3A_407, %get3A_408] {strides = array<i32>} : memref<480x128xf32, #tpu.memory_space<vmem>>, vector<16xf32>,
        %mul3A_410 = arith.constant 3 : i32
        %mul3A_411 = arith.muli %mul3A_410, %scan3A_204 : i32
        %add3A_412 = arith.constant 1 : i32
        %add3A_413 = arith.addi %mul3A_411, %add3A_412 : i32
        %get3A_414 = arith.index_cast %add3A_413 : i32 to index
        %get3A_415 = arith.constant 96 : index
        %get3A_416 = tpu.vector_load %arg7[%get3A_414, %get3A_415] {strides = array<i32>} : memref<480x128xf32, #tpu.memory_space<vmem>>, vector<16xf32>,
        %max3A_417 = arith.maximumf %get3A_409, %get3A_416 : vector<16xf32>
        %mul3A_418 = arith.constant 3 : i32
        %mul3A_419 = arith.muli %mul3A_418, %scan3A_204 : i32
        %add3A_420 = arith.constant 2 : i32
        %add3A_421 = arith.addi %mul3A_419, %add3A_420 : i32
        %get3A_422 = arith.index_cast %add3A_421 : i32 to index
        %get3A_423 = arith.constant 96 : index
        %get3A_424 = tpu.vector_load %arg7[%get3A_422, %get3A_423] {strides = array<i32>} : memref<480x128xf32, #tpu.memory_space<vmem>>, vector<16xf32>,
        %get3A_425 = arith.index_cast %scan3A_204 : i32 to index
        %get3A_426 = arith.constant 96 : index
        %get3A_427 = tpu.vector_load %arg8[%get3A_425, %get3A_426] {strides = array<i32>} : memref<160x128xf32, #tpu.memory_space<vmem>>, vector<16xf32>,
        %max3A_428 = arith.maximumf %get3A_424, %get3A_427 : vector<16xf32>
        %max3A_429 = arith.maximumf %max3A_417, %max3A_428 : vector<16xf32>
        %swap3A_430 = arith.index_cast %scan3A_204 : i32 to index
        %swap3A_431 = arith.constant 96 : index
        %swap3A_432 = tpu.vector_load %arg9[%swap3A_430, %swap3A_431] {strides = array<i32>} : memref<160x128xf32, #tpu.memory_space<vmem>>, vector<16xf32>,
        tpu.vector_store %arg9[%swap3A_430, %swap3A_431], %max3A_429 {strides = array<i32>} : memref<160x128xf32, #tpu.memory_space<vmem>>, vector<16xf32>,
        %add3A_433 = arith.addf %scan3A_211, %max3A_429 : vector<16xf32>
        %mul3A_434 = arith.mulf %max3A_429, %max3A_429 : vector<16xf32>
        %add3A_435 = arith.addf %scan3A_219, %mul3A_434 : vector<16xf32>
        %mul3A_436 = arith.constant 3 : i32
        %mul3A_437 = arith.muli %mul3A_436, %scan3A_204 : i32
        %get3A_438 = arith.index_cast %mul3A_437 : i32 to index
        %get3A_439 = arith.constant 112 : index
        %get3A_440 = tpu.vector_load %arg7[%get3A_438, %get3A_439] {strides = array<i32>} : memref<480x128xf32, #tpu.memory_space<vmem>>, vector<16xf32>,
        %mul3A_441 = arith.constant 3 : i32
        %mul3A_442 = arith.muli %mul3A_441, %scan3A_204 : i32
        %add3A_443 = arith.constant 1 : i32
        %add3A_444 = arith.addi %mul3A_442, %add3A_443 : i32
        %get3A_445 = arith.index_cast %add3A_444 : i32 to index
        %get3A_446 = arith.constant 112 : index
        %get3A_447 = tpu.vector_load %arg7[%get3A_445, %get3A_446] {strides = array<i32>} : memref<480x128xf32, #tpu.memory_space<vmem>>, vector<16xf32>,
        %max3A_448 = arith.maximumf %get3A_440, %get3A_447 : vector<16xf32>
        %mul3A_449 = arith.constant 3 : i32
        %mul3A_450 = arith.muli %mul3A_449, %scan3A_204 : i32
        %add3A_451 = arith.constant 2 : i32
        %add3A_452 = arith.addi %mul3A_450, %add3A_451 : i32
        %get3A_453 = arith.index_cast %add3A_452 : i32 to index
        %get3A_454 = arith.constant 112 : index
        %get3A_455 = tpu.vector_load %arg7[%get3A_453, %get3A_454] {strides = array<i32>} : memref<480x128xf32, #tpu.memory_space<vmem>>, vector<16xf32>,
        %get3A_456 = arith.index_cast %scan3A_204 : i32 to index
        %get3A_457 = arith.constant 112 : index
        %get3A_458 = tpu.vector_load %arg8[%get3A_456, %get3A_457] {strides = array<i32>} : memref<160x128xf32, #tpu.memory_space<vmem>>, vector<16xf32>,
        %max3A_459 = arith.maximumf %get3A_455, %get3A_458 : vector<16xf32>
        %max3A_460 = arith.maximumf %max3A_448, %max3A_459 : vector<16xf32>
        %swap3A_461 = arith.index_cast %scan3A_204 : i32 to index
        %swap3A_462 = arith.constant 112 : index
        %swap3A_463 = tpu.vector_load %arg9[%swap3A_461, %swap3A_462] {strides = array<i32>} : memref<160x128xf32, #tpu.memory_space<vmem>>, vector<16xf32>,
        tpu.vector_store %arg9[%swap3A_461, %swap3A_462], %max3A_460 {strides = array<i32>} : memref<160x128xf32, #tpu.memory_space<vmem>>, vector<16xf32>,
        %add3A_464 = arith.addf %scan3A_212, %max3A_460 : vector<16xf32>
        %mul3A_465 = arith.mulf %max3A_460, %max3A_460 : vector<16xf32>
        %add3A_466 = arith.addf %scan3A_220, %mul3A_465 : vector<16xf32>
        scf.yield %add3A_247, %add3A_278, %add3A_309, %add3A_340, %add3A_371, %add3A_402, %add3A_433, %add3A_464, %add3A_249, %add3A_280, %add3A_311, %add3A_342, %add3A_373, %add3A_404, %add3A_435, %add3A_466 : vector<16xf32>, vector<16xf32>, vector<16xf32>, vector<16xf32>, vector<16xf32>, vector<16xf32>, vector<16xf32>, vector<16xf32>, vector<16xf32>, vector<16xf32>, vector<16xf32>, vector<16xf32>, vector<16xf32>, vector<16xf32>, vector<16xf32>, vector<16xf32>
      }
      %scan3A_203 = arith.constant 160 : i32
      "tpu.region"() ({
        %run_scoped3A = tpu.sem_alloc : memref<!tpu.dma_semaphore, #tpu.memory_space<semaphore_mem>>
        %dma_start3A_204 = arith.constant 0 : i32
        %dma_start3A_205 = tpu.memref_slice %arg4[%mul3A_118, %dma_start3A_204] : memref<200000x128xf32, #tpu.memory_space<hbm>> -> memref<160x128xf32, #tpu.memory_space<hbm>>
        %dma_start3A_206 = arith.constant 0 : i32
        %dma_start3A_207 = tpu.memref_slice %arg4[%mul3A_118, %dma_start3A_206] : memref<200000x128xf32, #tpu.memory_space<hbm>> -> memref<160x128xf32, #tpu.memory_space<hbm>>
        tpu.enqueue_dma source(%arg9 : memref<160x128xf32, #tpu.memory_space<vmem>>) target(%dma_start3A_207 : memref<160x128xf32, #tpu.memory_space<hbm>>) target_semaphore(%run_scoped3A : memref<!tpu.dma_semaphore, #tpu.memory_space<semaphore_mem>>)
        %dma_wait3A_208 = arith.constant 0 : i32
        %dma_wait3A_209 = tpu.memref_slice %arg4[%mul3A_118, %dma_wait3A_208] : memref<200000x128xf32, #tpu.memory_space<hbm>> -> memref<160x128xf32, #tpu.memory_space<hbm>>
        %dma_wait3A_210 = arith.constant 0 : i32
        %dma_wait3A_211 = tpu.memref_slice %arg4[%mul3A_118, %dma_wait3A_210] : memref<200000x128xf32, #tpu.memory_space<hbm>> -> memref<160x128xf32, #tpu.memory_space<hbm>>
        tpu.wait_dma2 semaphore(%run_scoped3A : memref<!tpu.dma_semaphore, #tpu.memory_space<semaphore_mem>>) src(%arg9 : memref<160x128xf32, #tpu.memory_space<vmem>>) dst(%dma_wait3A_211 : memref<160x128xf32, #tpu.memory_space<hbm>>)
        tpu.yield
      }) : () -> ()
      scf.yield %scan3A_202#0, %scan3A_202#1, %scan3A_202#2, %scan3A_202#3, %scan3A_202#4, %scan3A_202#5, %scan3A_202#6, %scan3A_202#7, %scan3A_202#8, %scan3A_202#9, %scan3A_202#10, %scan3A_202#11, %scan3A_202#12, %scan3A_202#13, %scan3A_202#14, %scan3A_202#15 : vector<16xf32>, vector<16xf32>, vector<16xf32>, vector<16xf32>, vector<16xf32>, vector<16xf32>, vector<16xf32>, vector<16xf32>, vector<16xf32>, vector<16xf32>, vector<16xf32>, vector<16xf32>, vector<16xf32>, vector<16xf32>, vector<16xf32>, vector<16xf32>
    }
    %swap3A = arith.constant 0 : i32
    %swap3A_34 = arith.index_cast %swap3A : i32 to index
    %swap3A_35 = arith.constant 0 : index
    %swap3A_36 = tpu.vector_load %arg10[%swap3A_34, %swap3A_35] {strides = array<i32>} : memref<2x128xf32, #tpu.memory_space<vmem>>, vector<16xf32>,
    tpu.vector_store %arg10[%swap3A_34, %swap3A_35], %while3A_33#0 {strides = array<i32>} : memref<2x128xf32, #tpu.memory_space<vmem>>, vector<16xf32>,
    %swap3A_37 = arith.constant 1 : i32
    %swap3A_38 = arith.index_cast %swap3A_37 : i32 to index
    %swap3A_39 = arith.constant 0 : index
    %swap3A_40 = tpu.vector_load %arg10[%swap3A_38, %swap3A_39] {strides = array<i32>} : memref<2x128xf32, #tpu.memory_space<vmem>>, vector<16xf32>,
    tpu.vector_store %arg10[%swap3A_38, %swap3A_39], %while3A_33#8 {strides = array<i32>} : memref<2x128xf32, #tpu.memory_space<vmem>>, vector<16xf32>,
    %swap3A_41 = arith.constant 0 : i32
    %swap3A_42 = arith.index_cast %swap3A_41 : i32 to index
    %swap3A_43 = arith.constant 16 : index
    %swap3A_44 = tpu.vector_load %arg10[%swap3A_42, %swap3A_43] {strides = array<i32>} : memref<2x128xf32, #tpu.memory_space<vmem>>, vector<16xf32>,
    tpu.vector_store %arg10[%swap3A_42, %swap3A_43], %while3A_33#1 {strides = array<i32>} : memref<2x128xf32, #tpu.memory_space<vmem>>, vector<16xf32>,
    %swap3A_45 = arith.constant 1 : i32
    %swap3A_46 = arith.index_cast %swap3A_45 : i32 to index
    %swap3A_47 = arith.constant 16 : index
    %swap3A_48 = tpu.vector_load %arg10[%swap3A_46, %swap3A_47] {strides = array<i32>} : memref<2x128xf32, #tpu.memory_space<vmem>>, vector<16xf32>,
    tpu.vector_store %arg10[%swap3A_46, %swap3A_47], %while3A_33#9 {strides = array<i32>} : memref<2x128xf32, #tpu.memory_space<vmem>>, vector<16xf32>,
    %swap3A_49 = arith.constant 0 : i32
    %swap3A_50 = arith.index_cast %swap3A_49 : i32 to index
    %swap3A_51 = arith.constant 32 : index
    %swap3A_52 = tpu.vector_load %arg10[%swap3A_50, %swap3A_51] {strides = array<i32>} : memref<2x128xf32, #tpu.memory_space<vmem>>, vector<16xf32>,
    tpu.vector_store %arg10[%swap3A_50, %swap3A_51], %while3A_33#2 {strides = array<i32>} : memref<2x128xf32, #tpu.memory_space<vmem>>, vector<16xf32>,
    %swap3A_53 = arith.constant 1 : i32
    %swap3A_54 = arith.index_cast %swap3A_53 : i32 to index
    %swap3A_55 = arith.constant 32 : index
    %swap3A_56 = tpu.vector_load %arg10[%swap3A_54, %swap3A_55] {strides = array<i32>} : memref<2x128xf32, #tpu.memory_space<vmem>>, vector<16xf32>,
    tpu.vector_store %arg10[%swap3A_54, %swap3A_55], %while3A_33#10 {strides = array<i32>} : memref<2x128xf32, #tpu.memory_space<vmem>>, vector<16xf32>,
    %swap3A_57 = arith.constant 0 : i32
    %swap3A_58 = arith.index_cast %swap3A_57 : i32 to index
    %swap3A_59 = arith.constant 48 : index
    %swap3A_60 = tpu.vector_load %arg10[%swap3A_58, %swap3A_59] {strides = array<i32>} : memref<2x128xf32, #tpu.memory_space<vmem>>, vector<16xf32>,
    tpu.vector_store %arg10[%swap3A_58, %swap3A_59], %while3A_33#3 {strides = array<i32>} : memref<2x128xf32, #tpu.memory_space<vmem>>, vector<16xf32>,
    %swap3A_61 = arith.constant 1 : i32
    %swap3A_62 = arith.index_cast %swap3A_61 : i32 to index
    %swap3A_63 = arith.constant 48 : index
    %swap3A_64 = tpu.vector_load %arg10[%swap3A_62, %swap3A_63] {strides = array<i32>} : memref<2x128xf32, #tpu.memory_space<vmem>>, vector<16xf32>,
    tpu.vector_store %arg10[%swap3A_62, %swap3A_63], %while3A_33#11 {strides = array<i32>} : memref<2x128xf32, #tpu.memory_space<vmem>>, vector<16xf32>,
    %swap3A_65 = arith.constant 0 : i32
    %swap3A_66 = arith.index_cast %swap3A_65 : i32 to index
    %swap3A_67 = arith.constant 64 : index
    %swap3A_68 = tpu.vector_load %arg10[%swap3A_66, %swap3A_67] {strides = array<i32>} : memref<2x128xf32, #tpu.memory_space<vmem>>, vector<16xf32>,
    tpu.vector_store %arg10[%swap3A_66, %swap3A_67], %while3A_33#4 {strides = array<i32>} : memref<2x128xf32, #tpu.memory_space<vmem>>, vector<16xf32>,
    %swap3A_69 = arith.constant 1 : i32
    %swap3A_70 = arith.index_cast %swap3A_69 : i32 to index
    %swap3A_71 = arith.constant 64 : index
    %swap3A_72 = tpu.vector_load %arg10[%swap3A_70, %swap3A_71] {strides = array<i32>} : memref<2x128xf32, #tpu.memory_space<vmem>>, vector<16xf32>,
    tpu.vector_store %arg10[%swap3A_70, %swap3A_71], %while3A_33#12 {strides = array<i32>} : memref<2x128xf32, #tpu.memory_space<vmem>>, vector<16xf32>,
    %swap3A_73 = arith.constant 0 : i32
    %swap3A_74 = arith.index_cast %swap3A_73 : i32 to index
    %swap3A_75 = arith.constant 80 : index
    %swap3A_76 = tpu.vector_load %arg10[%swap3A_74, %swap3A_75] {strides = array<i32>} : memref<2x128xf32, #tpu.memory_space<vmem>>, vector<16xf32>,
    tpu.vector_store %arg10[%swap3A_74, %swap3A_75], %while3A_33#5 {strides = array<i32>} : memref<2x128xf32, #tpu.memory_space<vmem>>, vector<16xf32>,
    %swap3A_77 = arith.constant 1 : i32
    %swap3A_78 = arith.index_cast %swap3A_77 : i32 to index
    %swap3A_79 = arith.constant 80 : index
    %swap3A_80 = tpu.vector_load %arg10[%swap3A_78, %swap3A_79] {strides = array<i32>} : memref<2x128xf32, #tpu.memory_space<vmem>>, vector<16xf32>,
    tpu.vector_store %arg10[%swap3A_78, %swap3A_79], %while3A_33#13 {strides = array<i32>} : memref<2x128xf32, #tpu.memory_space<vmem>>, vector<16xf32>,
    %swap3A_81 = arith.constant 0 : i32
    %swap3A_82 = arith.index_cast %swap3A_81 : i32 to index
    %swap3A_83 = arith.constant 96 : index
    %swap3A_84 = tpu.vector_load %arg10[%swap3A_82, %swap3A_83] {strides = array<i32>} : memref<2x128xf32, #tpu.memory_space<vmem>>, vector<16xf32>,
    tpu.vector_store %arg10[%swap3A_82, %swap3A_83], %while3A_33#6 {strides = array<i32>} : memref<2x128xf32, #tpu.memory_space<vmem>>, vector<16xf32>,
    %swap3A_85 = arith.constant 1 : i32
    %swap3A_86 = arith.index_cast %swap3A_85 : i32 to index
    %swap3A_87 = arith.constant 96 : index
    %swap3A_88 = tpu.vector_load %arg10[%swap3A_86, %swap3A_87] {strides = array<i32>} : memref<2x128xf32, #tpu.memory_space<vmem>>, vector<16xf32>,
    tpu.vector_store %arg10[%swap3A_86, %swap3A_87], %while3A_33#14 {strides = array<i32>} : memref<2x128xf32, #tpu.memory_space<vmem>>, vector<16xf32>,
    %swap3A_89 = arith.constant 0 : i32
    %swap3A_90 = arith.index_cast %swap3A_89 : i32 to index
    %swap3A_91 = arith.constant 112 : index
    %swap3A_92 = tpu.vector_load %arg10[%swap3A_90, %swap3A_91] {strides = array<i32>} : memref<2x128xf32, #tpu.memory_space<vmem>>, vector<16xf32>,
    tpu.vector_store %arg10[%swap3A_90, %swap3A_91], %while3A_33#7 {strides = array<i32>} : memref<2x128xf32, #tpu.memory_space<vmem>>, vector<16xf32>,
    %swap3A_93 = arith.constant 1 : i32
    %swap3A_94 = arith.index_cast %swap3A_93 : i32 to index
    %swap3A_95 = arith.constant 112 : index
    %swap3A_96 = tpu.vector_load %arg10[%swap3A_94, %swap3A_95] {strides = array<i32>} : memref<2x128xf32, #tpu.memory_space<vmem>>, vector<16xf32>,
    tpu.vector_store %arg10[%swap3A_94, %swap3A_95], %while3A_33#15 {strides = array<i32>} : memref<2x128xf32, #tpu.memory_space<vmem>>, vector<16xf32>,
    "tpu.region"() ({
      %run_scoped3A = tpu.sem_alloc : memref<!tpu.dma_semaphore, #tpu.memory_space<semaphore_mem>>
      %dma_start3A = arith.constant 0 : i32
      %dma_start3A_97 = arith.constant 0 : i32
      %dma_start3A_98 = tpu.memref_slice %arg5[%add3A, %dma_start3A, %dma_start3A_97] : memref<32x2x128xf32, #tpu.memory_space<hbm>> -> memref<1x2x128xf32, #tpu.memory_space<hbm>>
      %dma_start3A_99 = tpu.memref_squeeze %dma_start3A_98 : memref<1x2x128xf32, #tpu.memory_space<hbm>> -> memref<2x128xf32, #tpu.memory_space<hbm>>
      %dma_start3A_100 = arith.constant 0 : i32
      %dma_start3A_101 = arith.constant 0 : i32
      %dma_start3A_102 = tpu.memref_slice %arg5[%add3A, %dma_start3A_100, %dma_start3A_101] : memref<32x2x128xf32, #tpu.memory_space<hbm>> -> memref<1x2x128xf32, #tpu.memory_space<hbm>>
      %dma_start3A_103 = tpu.memref_squeeze %dma_start3A_102 : memref<1x2x128xf32, #tpu.memory_space<hbm>> -> memref<2x128xf32, #tpu.memory_space<hbm>>
      tpu.enqueue_dma source(%arg10 : memref<2x128xf32, #tpu.memory_space<vmem>>) target(%dma_start3A_103 : memref<2x128xf32, #tpu.memory_space<hbm>>) target_semaphore(%run_scoped3A : memref<!tpu.dma_semaphore, #tpu.memory_space<semaphore_mem>>)
      %dma_wait3A = arith.constant 0 : i32
      %dma_wait3A_104 = arith.constant 0 : i32
      %dma_wait3A_105 = tpu.memref_slice %arg5[%add3A, %dma_wait3A, %dma_wait3A_104] : memref<32x2x128xf32, #tpu.memory_space<hbm>> -> memref<1x2x128xf32, #tpu.memory_space<hbm>>
      %dma_wait3A_106 = tpu.memref_squeeze %dma_wait3A_105 : memref<1x2x128xf32, #tpu.memory_space<hbm>> -> memref<2x128xf32, #tpu.memory_space<hbm>>
      %dma_wait3A_107 = arith.constant 0 : i32
      %dma_wait3A_108 = arith.constant 0 : i32
      %dma_wait3A_109 = tpu.memref_slice %arg5[%add3A, %dma_wait3A_107, %dma_wait3A_108] : memref<32x2x128xf32, #tpu.memory_space<hbm>> -> memref<1x2x128xf32, #tpu.memory_space<hbm>>
      %dma_wait3A_110 = tpu.memref_squeeze %dma_wait3A_109 : memref<1x2x128xf32, #tpu.memory_space<hbm>> -> memref<2x128xf32, #tpu.memory_space<hbm>>
      tpu.wait_dma2 semaphore(%run_scoped3A : memref<!tpu.dma_semaphore, #tpu.memory_space<semaphore_mem>>) src(%arg10 : memref<2x128xf32, #tpu.memory_space<vmem>>) dst(%dma_wait3A_110 : memref<2x128xf32, #tpu.memory_space<hbm>>)
      tpu.yield
    }) : () -> ()
    return
  }
}

module attributes {stable_mosaic.version = 14 : i64} {
  func.func @_proj_body(%arg0: i32, %arg1: i32, %arg2: memref<1x3x2560xf32, #tpu.memory_space<vmem>>, %arg3: memref<3x128xf32, #tpu.memory_space<vmem>>, %arg4: memref<1x2560x128xf32, #tpu.memory_space<vmem>>) attributes {dimension_semantics = [#tpu.dimension_semantics<arbitrary>, #tpu.dimension_semantics<arbitrary>], iteration_bounds = array<i64: 4, 20>, scalar_prefetch = 0 : i64, scratch_operands = 0 : i64, tpu.core_type = #tpu.core_type<tc>, window_params = [{transform_indices = @transform_0, window_bounds = array<i64: 1, 3, 2560>}, {pipeline_mode = #tpu.pipeline_mode<synchronous>, transform_indices = @transform_1, window_bounds = array<i64: 3, 128>}, {transform_indices = @transform_2, window_bounds = array<i64: 1, 2560, 128>}]} {
    %get3A = arith.constant 0 : index
    %get3A_0 = arith.constant 0 : index
    %get3A_1 = vector.load %arg3[%get3A, %get3A_0] : memref<3x128xf32, #tpu.memory_space<vmem>>, vector<3x128xf32>
    %mul3A = arith.mulf %get3A_1, %get3A_1 : vector<3x128xf32>
    %reduce_sum3A = arith.constant dense<0.000000e+00> : vector<128xf32>
    %reduce_sum3A_2 = vector.multi_reduction <add>, %mul3A, %reduce_sum3A [0] : vector<3x128xf32> to vector<128xf32>
    %broadcast_in_dim3A = vector.shape_cast %reduce_sum3A_2 : vector<128xf32> to vector<1x128xf32>
    %sqrt3A = math.sqrt %broadcast_in_dim3A : vector<1x128xf32>
    %max3A = arith.constant 9.99999996E-13 : f32
    %max3A_3 = vector.broadcast %max3A : f32 to vector<1x128xf32>
    %max3A_4 = arith.maximumf %sqrt3A, %max3A_3 : vector<1x128xf32>
    %div3A = arith.constant 1.000000e+00 : f32
    %div3A_5 = vector.broadcast %div3A : f32 to vector<1x128xf32>
    %div3A_6 = arith.divf %div3A_5, %max3A_4 : vector<1x128xf32>
    %mul3A_7 = vector.broadcast %div3A_6 : vector<1x128xf32> to vector<3x128xf32>
    %mul3A_8 = arith.mulf %get3A_1, %mul3A_7 : vector<3x128xf32>
    %broadcast_in_dim3A_9 = arith.constant 0.000000e+00 : f32
    %broadcast_in_dim3A_10 = vector.broadcast %broadcast_in_dim3A_9 : f32 to vector<13x128xf32>
    %concatenate3A = tpu.concatenate %mul3A_8, %broadcast_in_dim3A_10 in 0 : vector<3x128xf32>, vector<13x128xf32> -> vector<16x128xf32>
    %get3A_11 = arith.constant 0 : index
    %get3A_12 = arith.constant 0 : index
    %get3A_13 = arith.constant 0 : index
    %get3A_14 = vector.load %arg2[%get3A_11, %get3A_12, %get3A_13] : memref<1x3x2560xf32, #tpu.memory_space<vmem>>, vector<1x3x2560xf32>
    %get3A_15 = vector.shape_cast %get3A_14 : vector<1x3x2560xf32> to vector<3x2560xf32>
    %mul3A_16 = arith.mulf %get3A_15, %get3A_15 : vector<3x2560xf32>
    %reduce_sum3A_17 = arith.constant dense<0.000000e+00> : vector<2560xf32>
    %reduce_sum3A_18 = vector.multi_reduction <add>, %mul3A_16, %reduce_sum3A_17 [0] : vector<3x2560xf32> to vector<2560xf32>
    %broadcast_in_dim3A_19 = vector.shape_cast %reduce_sum3A_18 : vector<2560xf32> to vector<1x2560xf32>
    %sqrt3A_20 = math.sqrt %broadcast_in_dim3A_19 : vector<1x2560xf32>
    %max3A_21 = arith.constant 9.99999996E-13 : f32
    %max3A_22 = vector.broadcast %max3A_21 : f32 to vector<1x2560xf32>
    %max3A_23 = arith.maximumf %sqrt3A_20, %max3A_22 : vector<1x2560xf32>
    %div3A_24 = arith.constant 1.000000e+00 : f32
    %div3A_25 = vector.broadcast %div3A_24 : f32 to vector<1x2560xf32>
    %div3A_26 = arith.divf %div3A_25, %max3A_23 : vector<1x2560xf32>
    %mul3A_27 = vector.broadcast %div3A_26 : vector<1x2560xf32> to vector<3x2560xf32>
    %mul3A_28 = arith.mulf %get3A_15, %mul3A_27 : vector<3x2560xf32>
    %broadcast_in_dim3A_29 = arith.constant 0.000000e+00 : f32
    %broadcast_in_dim3A_30 = vector.broadcast %broadcast_in_dim3A_29 : f32 to vector<13x2560xf32>
    %concatenate3A_31 = tpu.concatenate %mul3A_28, %broadcast_in_dim3A_30 in 0 : vector<3x2560xf32>, vector<13x2560xf32> -> vector<16x2560xf32>
    %transpose3A = tpu.transpose %concatenate3A_31, [1, 0] : vector<16x2560xf32> -> vector<2560x16xf32>
    %dot_general3A = arith.constant dense<0.000000e+00> : vector<2560x128xf32>
    %dot_general3A_32 = tpu.matmul %transpose3A, %concatenate3A, %dot_general3A {dimension_numbers = #tpu.dot_dimension_numbers<[1], [0], [0], [1], [0, 0, 1, 1], [], []>, transpose_lhs_hint = false} : vector<2560x16xf32>, vector<16x128xf32>, vector<2560x128xf32> -> vector<2560x128xf32>
    %swap3A = arith.constant 0 : index
    %swap3A_33 = arith.constant 0 : index
    %swap3A_34 = arith.constant 0 : index
    %swap3A_35 = vector.load %arg4[%swap3A, %swap3A_33, %swap3A_34] : memref<1x2560x128xf32, #tpu.memory_space<vmem>>, vector<1x2560x128xf32>
    %swap3A_36 = vector.shape_cast %swap3A_35 : vector<1x2560x128xf32> to vector<2560x128xf32>
    %swap3A_37 = vector.shape_cast %dot_general3A_32 : vector<2560x128xf32> to vector<1x2560x128xf32>
    tpu.vector_store %arg4[%swap3A, %swap3A_33, %swap3A_34], %swap3A_37 {strides = array<i32>} : memref<1x2560x128xf32, #tpu.memory_space<vmem>>, vector<1x2560x128xf32>,
    return
  }
  func.func @transform_0(%arg0: i32, %arg1: i32) -> (i32, i32, i32) {
    %c0_i32 = arith.constant 0 : i32
    %c0_i32_0 = arith.constant 0 : i32
    return %arg0, %c0_i32, %arg1 : i32, i32, i32
  }
  func.func @transform_1(%arg0: i32, %arg1: i32) -> (i32, i32) {
    %c0_i32 = arith.constant 0 : i32
    %c0_i32_0 = arith.constant 0 : i32
    %c0_i32_1 = arith.constant 0 : i32
    return %c0_i32, %c0_i32_0 : i32, i32
  }
  func.func @transform_2(%arg0: i32, %arg1: i32) -> (i32, i32, i32) {
    %c0_i32 = arith.constant 0 : i32
    %c0_i32_0 = arith.constant 0 : i32
    return %arg0, %arg1, %c0_i32 : i32, i32, i32
  }
}

module attributes {stable_mosaic.version = 14 : i64} {
  func.func @_apply_body(%arg0: i32, %arg1: i32, %arg2: memref<1x2560x128xf32, #tpu.memory_space<vmem>>, %arg3: memref<32x2x128xf32, #tpu.memory_space<vmem>>, %arg4: memref<1x128xf32, #tpu.memory_space<vmem>>, %arg5: memref<1x128xf32, #tpu.memory_space<vmem>>, %arg6: memref<1x128x2560xf32, #tpu.memory_space<vmem>>) attributes {dimension_semantics = [#tpu.dimension_semantics<arbitrary>, #tpu.dimension_semantics<arbitrary>], iteration_bounds = array<i64: 4, 20>, scalar_prefetch = 0 : i64, scratch_operands = 0 : i64, tpu.core_type = #tpu.core_type<tc>, window_params = [{transform_indices = @transform_0, window_bounds = array<i64: 1, 2560, 128>}, {pipeline_mode = #tpu.pipeline_mode<synchronous>, transform_indices = @transform_1, window_bounds = array<i64: 32, 2, 128>}, {pipeline_mode = #tpu.pipeline_mode<synchronous>, transform_indices = @transform_2, window_bounds = array<i64: 1, 128>}, {pipeline_mode = #tpu.pipeline_mode<synchronous>, transform_indices = @transform_3, window_bounds = array<i64: 1, 128>}, {transform_indices = @transform_4, window_bounds = array<i64: 1, 128, 2560>}]} {
    %get3A = arith.constant 0 : index
    %get3A_0 = arith.constant 0 : index
    %get3A_1 = arith.constant 0 : index
    %get3A_2 = vector.load %arg3[%get3A, %get3A_0, %get3A_1] : memref<32x2x128xf32, #tpu.memory_space<vmem>>, vector<32x2x128xf32>
    %slice3A = vector.extract_strided_slice %get3A_2 {offsets = [0, 0, 0], sizes = [32, 1, 128], strides = [1, 1, 1]} : vector<32x2x128xf32> to vector<32x1x128xf32>
    %squeeze3A = vector.shape_cast %slice3A : vector<32x1x128xf32> to vector<32x128xf32>
    %reduce_sum3A = arith.constant dense<0.000000e+00> : vector<128xf32>
    %reduce_sum3A_3 = vector.multi_reduction <add>, %squeeze3A, %reduce_sum3A [0] : vector<32x128xf32> to vector<128xf32>
    %broadcast_in_dim3A = vector.shape_cast %reduce_sum3A_3 : vector<128xf32> to vector<1x128xf32>
    %slice3A_4 = vector.extract_strided_slice %get3A_2 {offsets = [0, 1, 0], sizes = [32, 1, 128], strides = [1, 1, 1]} : vector<32x2x128xf32> to vector<32x1x128xf32>
    %squeeze3A_5 = vector.shape_cast %slice3A_4 : vector<32x1x128xf32> to vector<32x128xf32>
    %reduce_sum3A_6 = arith.constant dense<0.000000e+00> : vector<128xf32>
    %reduce_sum3A_7 = vector.multi_reduction <add>, %squeeze3A_5, %reduce_sum3A_6 [0] : vector<32x128xf32> to vector<128xf32>
    %broadcast_in_dim3A_8 = vector.shape_cast %reduce_sum3A_7 : vector<128xf32> to vector<1x128xf32>
    %div3A = arith.constant 2.000000e+05 : f32
    %div3A_9 = vector.broadcast %div3A : f32 to vector<1x128xf32>
    %div3A_10 = arith.divf %broadcast_in_dim3A, %div3A_9 : vector<1x128xf32>
    %div3A_11 = arith.constant 2.000000e+05 : f32
    %div3A_12 = vector.broadcast %div3A_11 : f32 to vector<1x128xf32>
    %div3A_13 = arith.divf %broadcast_in_dim3A_8, %div3A_12 : vector<1x128xf32>
    %mul3A = arith.mulf %div3A_10, %div3A_10 : vector<1x128xf32>
    %sub3A = arith.subf %div3A_13, %mul3A : vector<1x128xf32>
    %add3A = arith.constant 9.99999974E-6 : f32
    %add3A_14 = vector.broadcast %add3A : f32 to vector<1x128xf32>
    %add3A_15 = arith.addf %sub3A, %add3A_14 : vector<1x128xf32>
    %rsqrt3A = math.rsqrt %add3A_15 : vector<1x128xf32>
    %get3A_16 = arith.constant 0 : index
    %get3A_17 = arith.constant 0 : index
    %get3A_18 = vector.load %arg4[%get3A_16, %get3A_17] : memref<1x128xf32, #tpu.memory_space<vmem>>, vector<1x128xf32>
    %mul3A_19 = arith.mulf %get3A_18, %rsqrt3A : vector<1x128xf32>
    %get3A_20 = arith.constant 0 : index
    %get3A_21 = arith.constant 0 : index
    %get3A_22 = vector.load %arg5[%get3A_20, %get3A_21] : memref<1x128xf32, #tpu.memory_space<vmem>>, vector<1x128xf32>
    %mul3A_23 = arith.mulf %div3A_10, %mul3A_19 : vector<1x128xf32>
    %sub3A_24 = arith.subf %get3A_22, %mul3A_23 : vector<1x128xf32>
    %get3A_25 = arith.constant 0 : index
    %get3A_26 = arith.constant 0 : index
    %get3A_27 = arith.constant 0 : index
    %get3A_28 = vector.load %arg2[%get3A_25, %get3A_26, %get3A_27] : memref<1x2560x128xf32, #tpu.memory_space<vmem>>, vector<1x2560x128xf32>
    %get3A_29 = vector.shape_cast %get3A_28 : vector<1x2560x128xf32> to vector<2560x128xf32>
    %mul3A_30 = vector.broadcast %mul3A_19 : vector<1x128xf32> to vector<2560x128xf32>
    %mul3A_31 = arith.mulf %get3A_29, %mul3A_30 : vector<2560x128xf32>
    %add3A_32 = vector.broadcast %sub3A_24 : vector<1x128xf32> to vector<2560x128xf32>
    %add3A_33 = arith.addf %mul3A_31, %add3A_32 : vector<2560x128xf32>
    %max3A = arith.constant 0.000000e+00 : f32
    %max3A_34 = vector.broadcast %max3A : f32 to vector<2560x128xf32>
    %max3A_35 = arith.maximumf %add3A_33, %max3A_34 : vector<2560x128xf32>
    %transpose3A = tpu.transpose %max3A_35, [1, 0] : vector<2560x128xf32> -> vector<128x2560xf32>
    %swap3A = arith.constant 0 : index
    %swap3A_36 = arith.constant 0 : index
    %swap3A_37 = arith.constant 0 : index
    %swap3A_38 = vector.load %arg6[%swap3A, %swap3A_36, %swap3A_37] : memref<1x128x2560xf32, #tpu.memory_space<vmem>>, vector<1x128x2560xf32>
    %swap3A_39 = vector.shape_cast %swap3A_38 : vector<1x128x2560xf32> to vector<128x2560xf32>
    %swap3A_40 = vector.shape_cast %transpose3A : vector<128x2560xf32> to vector<1x128x2560xf32>
    tpu.vector_store %arg6[%swap3A, %swap3A_36, %swap3A_37], %swap3A_40 {strides = array<i32>} : memref<1x128x2560xf32, #tpu.memory_space<vmem>>, vector<1x128x2560xf32>,
    return
  }
  func.func @transform_0(%arg0: i32, %arg1: i32) -> (i32, i32, i32) {
    %c0_i32 = arith.constant 0 : i32
    %c0_i32_0 = arith.constant 0 : i32
    return %arg0, %arg1, %c0_i32 : i32, i32, i32
  }
  func.func @transform_1(%arg0: i32, %arg1: i32) -> (i32, i32, i32) {
    %c0_i32 = arith.constant 0 : i32
    %c0_i32_0 = arith.constant 0 : i32
    %c0_i32_1 = arith.constant 0 : i32
    %c0_i32_2 = arith.constant 0 : i32
    return %c0_i32, %c0_i32_0, %c0_i32_1 : i32, i32, i32
  }
  func.func @transform_2(%arg0: i32, %arg1: i32) -> (i32, i32) {
    %c0_i32 = arith.constant 0 : i32
    %c0_i32_0 = arith.constant 0 : i32
    %c0_i32_1 = arith.constant 0 : i32
    return %c0_i32, %c0_i32_0 : i32, i32
  }
  func.func @transform_3(%arg0: i32, %arg1: i32) -> (i32, i32) {
    %c0_i32 = arith.constant 0 : i32
    %c0_i32_0 = arith.constant 0 : i32
    %c0_i32_1 = arith.constant 0 : i32
    return %c0_i32, %c0_i32_0 : i32, i32
  }
  func.func @transform_4(%arg0: i32, %arg1: i32) -> (i32, i32, i32) {
    %c0_i32 = arith.constant 0 : i32
    %c0_i32_0 = arith.constant 0 : i32
    return %arg0, %c0_i32, %arg1 : i32, i32, i32
  }
}

</mosaic_0001>

<sc_bundles>
// kernel: kernel.5.cloned.1.call-start
scs
__scs_entry_jumppad:
0x0: {  	(pc) =	sbr.rel $0x88, $3  }
0x1: {  	(tag) =	ssettag $0x0;
	lr =	simm.s32 $0x1  }
0x2: {  	[smem:$0x3F9C] =	sst lr;
	_ =	strace $0xD0000000  }
0x3: {  	_ = 	snop  }
0x4: {  	_ = 	snop  }
0x5: {  	_ = 	snop  }
0x6: {  	_ = 	snop  }
0x7: {  	_ = 	snop  }
__scs_overlays_trampoline_lowered:
0x8: {  	[smem:$0x3FAB] =	sst s0  }
0x9: {  	[smem:$0x3FAC] =	sst s1  }
0xa: {  	[smem:$0x3FAD] =	sst s2  }
0xb: {  	[smem:$0x3FAE] =	sst s3  }
0xc: {  	[smem:$0x3FAF] =	sst s4  }
0xd: {  	[smem:$0x3FB0] =	sst s5  }
0xe: {  	[smem:$0x3FB1] =	sst s6  }
0xf: {  	[smem:$0x3FB2] =	sst s7  }
0x10: {  	[smem:$0x3FB3] =	sst s8  }
0x11: {  	[smem:$0x3FB4] =	sst s9;
	s0 =	simm.s32 @!p0 $0x0  }
0x12: {  	s1 =	sld [smem:$0x3F9A];
	s0 =	simm.s32 @p0 $0x1  }
0x13: {  	[smem:$0x3FB5] =	sst s0;
	s0 =	simm.s32 @!p1 $0x0  }
0x14: {  	s2 =	sld [smem:$0x3F99];
	s0 =	simm.s32 @p1 $0x1  }
0x15: {  	[smem:$0x3FB6] =	sst s0;
	s0 =	simm.s32 @!p2 $0x0  }
0x16: {  	s3 =	sld [smem:$0x3FDB];
	s0 =	simm.s32 @p2 $0x1  }
0x17: {  	s4 =	simm.s32 $0x1BF5;
	[smem:$0x3FB8] =	sst s0  }
0x18: {  	s0 =	sld [smem:$0x3F9B];
	_ =	swait.ge [sflag:s4], $0x0  }
0x19: {  	s7 =	sld [smem:$0x3F9C]  }
0x1a: {  	s8 =	sadd.s32 $0xFFFFE003, lr  }
0x1b: {  	s9 =	sadd.s32 $0xFFFFFEF7, lr;
	s5 =	simm.s32 $0xFFFFFFFF;
	p2 =	slt.u32 s8, $0xFFFFF086  }
0x1c: {  	p1 =	slt.u32 s9, $0xF7A;
	s5 =	simm.s32 @!p2 $0x0  }
0x1d: {  	s5 =	simm.s32 @p1 $0x1;
	p0 =	seq.s32 s7, s2  }
0x1e: {  	s7 =	smul.u32 @!p0 $0xF7A, s2;
	p2 =	seq.s32 @!p0 s5, $0x0  }
0x1f: {  	s9 =	smul.u32 $0xF7A, s1;
	s8 =	simm.s32 @!p0 $0x1BF5;
	p2 =	por !p2, p0  }
0x20: {  	[sflag:s8] =	ssyncset.s32 @!p0 $0xFFFFF086;
	s6 =	sadd.s32 @!p0 s3, s7;
	s7 =	simm.s32 @!p0 $0x108  }
0x21: {  	s3 =	sadd.s32 s3, s9;
	s6 =	sadd.s32 @!p0 $0x88, s6;
	s7 =	simm.s32 @p2 $0x1082  }
0x22: {  	[simem:s7], [sflag:s8] =	dma.local @!p0 [hbm:s6], $0xF7A  }
0x23: {  	s9 =	sor.u32 $0xD0000000, s2;
	s6 =	simm.s32 $0x108;
	_ =	swait.ge @!p0 [sflag:s8], $0x0  }
0x24: {  	s3 =	sadd.s32 $0x88, s3;
	s6 =	simm.s32 @!p1 $0x1082;
	[sflag:s4] =	ssyncset.s32 $0xFFFFF086  }
0x25: {  	[simem:s6], [sflag:s4] =	dma.local [hbm:s3], $0xF7A  }
0x26: {  	[smem:$0x3F9C] =	sst s1;
	(tag) =	ssettag s2;
	_ =	strace s9  }
0x27: {  	s1 =	sld [smem:$0x3FAC]  }
0x28: {  	s2 =	sld [smem:$0x3FAD]  }
0x29: {  	s4 =	sld [smem:$0x3FAF]  }
0x2a: {  	p0 =	seq.s32 s5, $0x0;
	s5 =	sld [smem:$0x3FB0]  }
0x2b: {  	s6 =	sld [smem:$0x3FB1]  }
0x2c: {  	s7 =	sld [smem:$0x3FB2]  }
0x2d: {  	s3 =	simm.s32 $0x108;
	s8 =	sld [smem:$0x3FB3]  }
0x2e: {  	s3 =	simm.s32 @!p0 $0x1082;
	s9 =	sld [smem:$0x3FB4]  }
0x2f: {  	lr =	sadd.s32 s0, s3;
	s0 =	sld [smem:$0x3FAB]  }
0x30: {  	s3 =	sld [smem:$0x3FAE]  }
0x31: {  	[smem:$0x3FB7] =	sst s10  }
0x32: {  	s10 =	sld [smem:$0x3FB5];
	_ =	sdelay $0x3  }
0x33: {  	p0 =	seq.s32 s10, $0x1;
	s10 =	sld [smem:$0x3FB7];
	_ =	sdelay $0x3  }
0x34: {  	[smem:$0x3FB7] =	sst s10  }
0x35: {  	s10 =	sld [smem:$0x3FB6];
	_ =	sdelay $0x3  }
0x36: {  	p1 =	seq.s32 s10, $0x1;
	s10 =	sld [smem:$0x3FB7];
	_ =	sdelay $0x3  }
0x37: {  	[smem:$0x3FB7] =	sst s10  }
0x38: {  	s10 =	sld [smem:$0x3FB8]  }
0x39: {  	_ = 	snop;
	(pc) =	sbr.ind lr, $3  }
0x3a: {  	_ = 	snop  }
0x3b: {  	_ = 	snop  }
0x3c: {  	p2 =	seq.s32 s10, $0x1;
	s10 =	sld [smem:$0x3FB7]  }
0x3d: {  	_ =	shalt  }
0x3e: {  	_ =	shalt  }
0x3f: {  	_ =	shalt  }
0x40: {  	_ =	shalt  }
0x41: {  	_ =	shalt  }
0x42: {  	_ =	shalt  }
0x43: {  	_ =	shalt  }
0x44: {  	_ =	shalt  }
0x45: {  	_ =	shalt  }
0x46: {  	_ =	shalt  }
0x47: {  	_ =	shalt  }
0x48: {  	_ =	shalt  }
0x49: {  	_ =	shalt  }
0x4a: {  	_ =	shalt  }
0x4b: {  	_ =	shalt  }
0x4c: {  	_ =	shalt  }
0x4d: {  	_ =	shalt  }
0x4e: {  	_ =	shalt  }
0x4f: {  	_ =	shalt  }
0x50: {  	_ =	shalt  }
0x51: {  	_ =	shalt  }
0x52: {  	_ =	shalt  }
0x53: {  	_ =	shalt  }
0x54: {  	_ =	shalt  }
0x55: {  	_ =	shalt  }
0x56: {  	_ =	shalt  }
0x57: {  	_ =	shalt  }
0x58: {  	_ =	shalt  }
0x59: {  	_ =	shalt  }
0x5a: {  	_ =	shalt  }
0x5b: {  	_ =	shalt  }
0x5c: {  	_ =	shalt  }
0x5d: {  	_ =	shalt  }
0x5e: {  	_ =	shalt  }
0x5f: {  	_ =	shalt  }
0x60: {  	_ =	shalt  }
0x61: {  	_ =	shalt  }
0x62: {  	_ =	shalt  }
0x63: {  	_ =	shalt  }
0x64: {  	_ =	shalt  }
0x65: {  	_ =	shalt  }
0x66: {  	_ =	shalt  }
0x67: {  	_ =	shalt  }
0x68: {  	_ =	shalt  }
0x69: {  	_ =	shalt  }
0x6a: {  	_ =	shalt  }
0x6b: {  	_ =	shalt  }
0x6c: {  	_ =	shalt  }
0x6d: {  	_ =	shalt  }
0x6e: {  	_ =	shalt  }
0x6f: {  	_ =	shalt  }
0x70: {  	_ =	shalt  }
0x71: {  	_ =	shalt  }
0x72: {  	_ =	shalt  }
0x73: {  	_ =	shalt  }
0x74: {  	_ =	shalt  }
0x75: {  	_ =	shalt  }
0x76: {  	_ =	shalt  }
0x77: {  	_ =	shalt  }
0x78: {  	_ =	shalt  }
0x79: {  	_ =	shalt  }
0x7a: {  	_ =	shalt  }
0x7b: {  	_ =	shalt  }
0x7c: {  	_ =	shalt  }
0x7d: {  	_ =	shalt  }
0x7e: {  	_ =	shalt  }
0x7f: {  	_ =	shalt  }
0x80: {  	_ =	shalt  }
0x81: {  	_ =	shalt  }
0x82: {  	_ =	shalt  }
0x83: {  	_ =	shalt  }
0x84: {  	_ =	shalt  }
0x85: {  	_ =	shalt  }
0x86: {  	_ =	shalt  }
0x87: {  	_ =	shalt  }
.Lfunc_end0:
.L_simem_size_0:
called_computation_lowered:
.L_overlay_start_0:
0x88: {  	s2 =	sld [smem:$0x3FD9]  }
0x89: {  	s3 =	sld [smem:$0x3FFE];
	_ =	sdelay $0x1  }
0x8a: {  	s1 =	srdreg.scid  }
0x8b: {  	s0 =	sand.u32 $0x1, s1  }
0x8c: {  	s17 =	sshll.u32 s0, $0xA;
	s2 =	sadd.s32 s3, s2  }
0x8d: {  	s2 =	sadd.s32 s2, s17  }
0x8e: {  	[smem:$0x3FC3] =	sst s2  }
0x8f: {  	_ = 	snop  }
0x90: {  	s2 =	sld [smem:$0x3FD0];
	(tm) =	ssettm $0x1  }
0x91: {  	s18 =	sld [smem:$0x3FFB];
	_ =	sdelay $0x3  }
0x92: {  	_ =	strace s18  }
0x93: {  	s3 =	sld [smem:$0x3FFC];
	_ =	sdelay $0x3  }
0x94: {  	_ =	strace s3  }
0x95: {  	s3 =	sld [smem:$0x3FFD];
	_ =	sdelay $0x3  }
0x96: {  	_ =	strace s3  }
0x97: {  	_ =	strace $0x8FFFFFFF  }
0x98: {  	s19 =	sld [smem:$0x3FDB];
	_ =	sdelay $0x1  }
0x99: {  	s4 =	simm.s32 $_scs_section_size  }
0x9a: {  	s5 =	simm.s32 $_size__tile_overlayer_lowered;
	s6 =	simm.s32 $_tile_overlayer_lowered  }
0x9b: {  	s22 =	simm.s32 $0x1BFF;
	s21 =	sshll.u32 s6, $0x1;
	s3 =	sadd.s32 s4, s19  }
0x9c: {  	s7 =	simm.s32 $0x0;
	s20 =	sshll.u32 s5, $0x1;
	s5 =	sadd.s32 s21, s3  }
0x9d: {  	[timem:s7], [sflag:s22] =	dma.local [hbm:s5], s20  }
0x9e: {  	_ =	swait.ge [sflag:s22], s20  }
0x9f: {  	s4 =	ssub.s32 $0x0, s20;
	[sflag:s22] =	ssyncset.done $0x0  }
0xa0: {  	[sflag:s22] =	ssyncadd.s32 s4;
	_ =	sdelay $0x1  }
0xa1: {  	s23 =	simm.s32 $0x1B8B  }
0xa2: {  	_ =	swait.ge [sflag:s23], $0x1  }
0xa3: {  	[sflag:s23] =	ssyncset.done $0x0  }
0xa4: {  	s25 =	simm.s32 $0x1B8E;
	s24 =	sld [smem:$0x3FFE];
	[sflag:s23] =	ssyncadd.s32 $0xFFFFFFFF  }
0xa5: {  	s26 =	simm.s32 $execute0_lowered;
	[smem:$0x3FD2] =	sst s25  }
0xa6: {  	s5 =	sshll.u32 s26, $0x1;
	_ =	strace $0x80000046;
	[dreg:$0x1] =	wrdreg $0xFFFFFFFF  }
0xa7: {  	s28 =	simm.s32 $_size_execute0_lowered;
	s3 =	sadd.s32 s3, s5;
	[dreg:$0x0] =	wrdreg $0x0  }
0xa8: {  	s5 =	sshll.u32 s28, $0x1;
	[dreg:$0x2] =	wrdreg s3  }
0xa9: {  	[dreg:$0x3] =	wrdreg s5  }
0xaa: {  	[dreg:$0x4] =	wrdreg $0xC0  }
0xab: {  	_ =	task [dreg:s7], $0x5FFFF  }
0xac: {  	[dreg:$0x1] =	wrdreg $0xFFFFFFFF  }
0xad: {  	[dreg:$0x0] =	wrdreg $0x60  }
0xae: {  	[dreg:$0x2] =	wrdreg s24  }
0xaf: {  	[dreg:$0x3] =	wrdreg s2  }
0xb0: {  	[dreg:$0x4] =	wrdreg $0x9  }
0xb1: {  	_ =	task.clear_ibuf [dreg:s7], $0x5FFFF;
	_ =	strace $0x90000046  }
0xb2: {  	s29 =	simm.s32 $0x9;
	_ =	strace $0x80000048  }
0xb3: {  	_ =	swait.ge [sflag:s29], $0x1  }
0xb4: {  	[sflag:s29] =	ssyncadd.s32 $0xFFFFFFFF  }
0xb5: {  	_ =	strace $0x90000048  }
0xb6: {  	_ =	sfence  }
0xb7: {  	s30 =	sld [smem:$0x0];
	_ =	sdelay $0x2  }
0xb8: {  	s31 =	sshll.u32 s1, $0xD;
	s1 =	sshrl.u32 s1, $0x2  }
0xb9: {  	s3 =	sand.u32 $0x4000, s31;
	s1 =	sadd.s32 s1, s30  }
0xba: {  	s0 =	sor.u32 s3, s0;
	s1 =	sshll.u32 s1, $0x11  }
0xbb: {  	s0 =	sor.u32 s1, s0  }
0xbc: {  	s0 =	sadd.s32 $0x8F2B, s0  }
0xbd: {  	[sflag:s0] =	ssyncadd.remote.s32 $0x1  }
0xbe: {  	_ =	sfence.sel $0xFFFF  }
0xbf: {  	[dreg:$0x0] =	wrdreg $0xFFFFFFFF;
	(pc) =	sbr.abs _section_cstart, $3  }
0xc0: {  	[dreg:$0x1] =	wrdreg $0xFFFFFFFF  }
0xc1: {  	_ =	task.clear_ibuf [dreg:s7], $0x2FFFF;
	_ =	strace $0x9FFFFFFF  }
0xc2: {  	(tm) =	ssettm $0x7FFFFFFF  }
0xc3: {  	_ =	shalt  }
tec
execute0_lowered:
.L_overlay_start_1:
0x0: {  	(tag) =	ssettag $0x1  }
0x1: {  	s7 =	rddreg [dreg:$0x0]  }
0x2: {  	s1 =	rddreg [dreg:$0x1];
	s3 =	simm.s32 $0x0  }
0x3: {  	s4 =	srdreg.scid;
	s2 =	stileid.u32;
	s11 =	simm.s32 $0x60  }
0x4: {  	s12 =	simm.s32 $0x200;
	s13 =	simm.s32 $0x3200;
	s14 =	simm.s32 $0xC0  }
0x5: {  	s15 =	simm.s32 $0x6200;
	s16 =	simm.s32 $0x120;
	s17 =	simm.s32 $0x9200  }
0x6: {  	s18 =	simm.s32 $0x180;
	s19 =	simm.s32 $0xC200;
	s20 =	simm.s32 $0xF200  }
0x7: {  	s21 =	simm.s32 $0x1;
	s22 =	simm.s32 $0x14200;
	s23 =	simm.s32 $0x19200  }
0x8: {  	s24 =	simm.s32 $0x0;
	[smem:$0x7FF] =	sst s3;
	s6 =	sand.u32 $0x1, s4  }
0x9: {  	s5 =	sshll.u32 s2, $0x1;
	s4 =	sadd.s32 $0x1200, s7;
	_ =	strace $0x80000047  }
0xa: {  	s5 =	sor.u32 s6, s5;
	s8 =	ssub.s32 $0x2, s6;
	s6 =	sadd.s32 $0x13C00, s7  }
0xb: {  	s9 =	sshll.u32 s5, $0x5;
	s10 =	sshrl.u32 s8, $0x1;
	s31 =	ssub.s32 $0x501, s5  }
0xc: {  	s7 =	sadd.s32 s9, s7;
	s30 =	ssub.s32 s8, s10;
	s8 =	sshrl.u32 s31, $0x5  }
0xd: {  	s10 =	simm.s32 $0x2;
	s7 =	sadd.s32 $0x13800, s7;
	s9 =	smax.u32 s30, $0x1  }
.LBB2_1:
0xe: {  	v0 =	vimm.f32 $0.0e+00  }
0xf: {  	v1 =	vimm.f32 $0.0e+00;
	v2 =	vimm.f32 $0.0e+00;
	v3 =	vimm.f32 $0.0e+00  }
0x10: {  	v5 =	vimm.f32 $0.0e+00;
	v7 =	vimm.f32 $0.0e+00;
	v9 =	vimm.f32 $0.0e+00  }
0x11: {  	v11 =	vimm.f32 $0.0e+00;
	v4 =	vimm.f32 $0.0e+00;
	v6 =	vimm.f32 $0.0e+00  }
0x12: {  	v8 =	vimm.f32 $0.0e+00;
	v10 =	vimm.f32 $0.0e+00;
	v12 =	vimm.f32 $0.0e+00  }
0x13: {  	v13 =	vimm.f32 $0.0e+00;
	v14 =	vimm.f32 $0.0e+00;
	v15 =	vimm.f32 $0.0e+00;
	s25 =	simm.s32 $0x0  }
.LBB2_2:
0x14: {  	s26 =	sshll.u32 s25, $0x5  }
0x15: {  	s26 =	sor.u32 s5, s26  }
0x16: {  	s28 =	smul.u32 $0x1E0, s26;
	_ =	sdelay $0x1  }
0x17: {  	s28 =	sshrl.u32 s28, $0x3  }
0x18: {  	s29 =	simm.s32 $0x0;
	s28 =	sadd.s32 s4, s28  }
0x19: {  	[tilespmem:s29], [sflag:$0x2] =	stream.linear.gather [hbm4b:s28+s29], $0x1E0, $0x38;
	[tilespmem:$0x19300] =	vst v63  }
0x1a: {  	_ =	swait.ge [sflag:s10], $0x1E0  }
0x1b: {  	[sflag:s10] =	ssyncset.done $0x0  }
0x1c: {  	[sflag:s10] =	ssyncadd.s32 $0xFFFFFE20  }
0x1d: {  	[tilespmem:s12], [sflag:$0x1] =	stream.indirect.gather [hbm4b:s1+s11], $0x80, s29, s11, $0xb8;
	[tilespmem:$0x19300] =	vst v63  }
0x1e: {  	_ = 	snop  }
0x1f: {  	[tilespmem:s13], [sflag:$0x1] =	stream.indirect.gather [hbm4b:s1+s11], $0x80, s11, s11, $0xb8;
	[tilespmem:$0x19300] =	vst v63  }
0x20: {  	_ = 	snop  }
0x21: {  	[tilespmem:s15], [sflag:$0x1] =	stream.indirect.gather [hbm4b:s1+s11], $0x80, s14, s11, $0xb8;
	[tilespmem:$0x19300] =	vst v63  }
0x22: {  	s26 =	smul.u32 $0x5000, s26  }
0x23: {  	[tilespmem:s17], [sflag:$0x1] =	stream.indirect.gather [hbm4b:s1+s11], $0x80, s16, s11, $0xb8;
	[tilespmem:$0x19300] =	vst v63  }
0x24: {  	s26 =	sshrl.u32 s26, $0x3  }
0x25: {  	[tilespmem:s19], [sflag:$0x1] =	stream.indirect.gather [hbm4b:s1+s11], $0x80, s18, s11, $0xb8;
	[tilespmem:$0x19300] =	vst v63  }
0x26: {  	s28 =	sadd.s32 s1, s26  }
0x27: {  	[tilespmem:s20], [sflag:$0x2] =	stream.linear.gather [hbm4b:s28+s29], $0x5000, $0x38;
	[tilespmem:$0x19300] =	vst v63  }
0x28: {  	_ =	swait.ge [sflag:s10], $0x5000  }
0x29: {  	[sflag:s10] =	ssyncset.done $0x0  }
0x2a: {  	[sflag:s10] =	ssyncadd.s32 $0xFFFFB000  }
0x2b: {  	_ =	swait.ge [sflag:s21], $0x3000  }
0x2c: {  	[sflag:s21] =	ssyncset.done $0x0  }
0x2d: {  	[sflag:s21] =	ssyncadd.s32 $0xFFFFD000  }
0x2e: {  	_ =	swait.ge [sflag:s21], $0x3000  }
0x2f: {  	[sflag:s21] =	ssyncset.done $0x0  }
0x30: {  	[sflag:s21] =	ssyncadd.s32 $0xFFFFD000  }
0x31: {  	_ =	swait.ge [sflag:s21], $0x3000  }
0x32: {  	[sflag:s21] =	ssyncset.done $0x0  }
0x33: {  	[sflag:s21] =	ssyncadd.s32 $0xFFFFD000  }
0x34: {  	_ =	swait.ge [sflag:s21], $0x3000  }
0x35: {  	[sflag:s21] =	ssyncset.done $0x0  }
0x36: {  	[sflag:s21] =	ssyncadd.s32 $0xFFFFD000  }
0x37: {  	_ =	swait.ge [sflag:s21], $0x3000  }
0x38: {  	[sflag:s21] =	ssyncset.done $0x0  }
0x39: {  	s28 =	simm.s32 $0x2C0;
	[sflag:s21] =	ssyncadd.s32 $0xFFFFD000  }
0x3a: {  	v16 =	vld [tilespmem:s28+$0xFFFFFF40]  }
0x3b: {  	v17 =	vld [tilespmem:s28+$0x40]  }
0x3c: {  	s29 =	simm.s32 $0x0;
	v18 =	vld [tilespmem:s28+$0xFFFFFFC0]  }
0x3d: {  	v19 =	vld [tilespmem:s29+$0xF200];
	_ =	sdelay $0x4  }
0x3e: {  	v16 =	vmax.f32 v16, v18;
	v17 =	vmax.f32 v17, v19  }
0x3f: {  	v16 =	vmax.f32 v16, v17  }
0x40: {  	v17 =	vld [tilespmem:s29+$0xF210];
	[tilespmem:s29+$0x14200] =	vst v16  }
0x41: {  	v18 =	vld [tilespmem:s28+$0x50]  }
0x42: {  	v19 =	vld [tilespmem:s28+$0xFFFFFF50]  }
0x43: {  	v20 =	vld [tilespmem:s28+$0xFFFFFFD0];
	_ =	sdelay $0x4  }
0x44: {  	v17 =	vmax.f32 v18, v17;
	v18 =	vmax.f32 v19, v20  }
0x45: {  	v17 =	vmax.f32 v18, v17  }
0x46: {  	v18 =	vld [tilespmem:s29+$0xF220];
	[tilespmem:s29+$0x14210] =	vst v17  }
0x47: {  	v19 =	vld [tilespmem:s28+$0xFFFFFF60]  }
0x48: {  	v20 =	vld [tilespmem:s28+$0xFFFFFFE0]  }
0x49: {  	v21 =	vld [tilespmem:s28+$0x60];
	_ =	sdelay $0x4  }
0x4a: {  	v19 =	vmax.f32 v19, v20;
	v18 =	vmax.f32 v21, v18  }
0x4b: {  	v18 =	vmax.f32 v19, v18  }
0x4c: {  	v19 =	vld [tilespmem:s29+$0xF230];
	[tilespmem:s29+$0x14220] =	vst v18  }
0x4d: {  	v20 =	vld [tilespmem:s28+$0xFFFFFF70]  }
0x4e: {  	v54 =	vld [tilespmem:s28+$0xFFFFFFF0]  }
0x4f: {  	v22 =	vld [tilespmem:s28+$0x70];
	_ =	sdelay $0x4  }
0x50: {  	v20 =	vmax.f32 v20, v54;
	v19 =	vmax.f32 v22, v19  }
0x51: {  	v19 =	vmax.f32 v20, v19  }
0x52: {  	v20 =	vld [tilespmem:s29+$0xF240];
	[tilespmem:s29+$0x14230] =	vst v19  }
0x53: {  	v55 =	vld [tilespmem:s28+$0x0]  }
0x54: {  	v56 =	vld [tilespmem:s28+$0xFFFFFF80]  }
0x55: {  	v23 =	vld [tilespmem:s28+$0x80];
	_ =	sdelay $0x4  }
0x56: {  	v21 =	vmax.f32 v56, v55;
	v20 =	vmax.f32 v23, v20  }
0x57: {  	v20 =	vmax.f32 v21, v20  }
0x58: {  	v57 =	vld [tilespmem:s29+$0xF250];
	[tilespmem:s29+$0x14240] =	vst v20  }
0x59: {  	v58 =	vld [tilespmem:s28+$0xFFFFFF90]  }
0x5a: {  	v59 =	vld [tilespmem:s28+$0x10]  }
0x5b: {  	v24 =	vld [tilespmem:s28+$0x90];
	_ =	sdelay $0x3  }
0x5c: {  	v60 =	vmul.f32 v16, v16;
	v15 =	vadd.f32 v16, v15  }
0x5d: {  	v16 =	vmul.f32 v18, v18;
	v22 =	vmax.f32 v58, v59;
	v21 =	vmax.f32 v24, v57  }
0x5e: {  	v21 =	vmax.f32 v22, v21  }
0x5f: {  	v62 =	vld [tilespmem:s29+$0xF260];
	v7 =	vadd.f32 v16, v7;
	v16 =	vmul.f32 v20, v20;
	[tilespmem:s29+$0x14250] =	vst v21  }
0x60: {  	v61 =	vmul.f32 v17, v17;
	v63 =	vld [tilespmem:s28+$0xA0]  }
0x61: {  	v14 =	vadd.f32 v17, v14;
	v17 =	vmul.f32 v19, v19;
	v3 =	vadd.f32 v16, v3;
	v16 =	vld [tilespmem:s28+$0xFFFFFFA0]  }
0x62: {  	v11 =	vadd.f32 v60, v11;
	v13 =	vadd.f32 v18, v13;
	v18 =	vld [tilespmem:s28+$0x20]  }
0x63: {  	v9 =	vadd.f32 v61, v9;
	v5 =	vadd.f32 v17, v5;
	v17 =	vmul.f32 v21, v21  }
0x64: {  	v12 =	vadd.f32 v19, v12;
	v10 =	vadd.f32 v20, v10  }
0x65: {  	s31 =	simm.s32 $0x200;
	s30 =	simm.s32 $0x2C0;
	v8 =	vadd.f32 v21, v8;
	v2 =	vadd.f32 v17, v2;
	v17 =	vmax.f32 v63, v62  }
.LBB2_3:
0x66: {  	p0 =	sne.s32 s31, $0x13E00  }
0x67: {  	s28 =	sadd.s32 $0x180, s28;
	s0 =	smov.u32 s31;
	s31 =	sadd.s32 $0x200, s31;
	v16 =	vmax.f32 v16, v18  }
0x68: {  	v16 =	vmax.f32 v16, v17  }
0x69: {  	[tilespmem:s29+$0x14260] =	vst v16;
	v6 =	vadd.f32 v16, v6;
	v16 =	vmul.f32 v16, v16;
	v17 =	vld [tilespmem:s29+$0xF270]  }
0x6a: {  	v18 =	vld [tilespmem:s30+$0xFFFFFFB0]  }
0x6b: {  	v1 =	vadd.f32 v16, v1;
	v16 =	vld [tilespmem:s30+$0xB0]  }
0x6c: {  	v19 =	vld [tilespmem:s30+$0x30];
	s30 =	smov.u32 s28;
	_ =	sdelay $0x3  }
0x6d: {  	v16 =	vmax.f32 v16, v17  }
0x6e: {  	v17 =	vmax.f32 v18, v19  }
0x6f: {  	v16 =	vmax.f32 v17, v16  }
0x70: {  	[tilespmem:s29+$0x14270] =	vst v16;
	v4 =	vadd.f32 v16, v4;
	v16 =	vmul.f32 v16, v16  }
0x71: {  	v17 =	vld [tilespmem:s28+$0xFFFFFF40]  }
0x72: {  	v18 =	vld [tilespmem:s28+$0x40];
	v0 =	vadd.f32 v16, v0  }
0x73: {  	s29 =	sshra.s32 s0, $0x2;
	v16 =	vld [tilespmem:s28+$0xFFFFFFC0]  }
0x74: {  	v19 =	vld [tilespmem:s29+$0xF200];
	_ =	sdelay $0x4  }
0x75: {  	v16 =	vmax.f32 v17, v16;
	v17 =	vmax.f32 v18, v19  }
0x76: {  	v16 =	vmax.f32 v16, v17  }
0x77: {  	[tilespmem:s29+$0x14200] =	vst v16;
	v15 =	vadd.f32 v16, v15;
	v16 =	vmul.f32 v16, v16;
	v17 =	vld [tilespmem:s29+$0xF210]  }
0x78: {  	v18 =	vld [tilespmem:s28+$0x50]  }
0x79: {  	v11 =	vadd.f32 v16, v11;
	v16 =	vld [tilespmem:s28+$0xFFFFFF50]  }
0x7a: {  	v19 =	vld [tilespmem:s28+$0xFFFFFFD0];
	_ =	sdelay $0x2  }
0x7b: {  	v17 =	vmax.f32 v18, v17;
	_ =	sdelay $0x1  }
0x7c: {  	v16 =	vmax.f32 v16, v19  }
0x7d: {  	v16 =	vmax.f32 v16, v17  }
0x7e: {  	[tilespmem:s29+$0x14210] =	vst v16;
	v14 =	vadd.f32 v16, v14;
	v16 =	vmul.f32 v16, v16;
	v17 =	vld [tilespmem:s29+$0xF220]  }
0x7f: {  	v18 =	vld [tilespmem:s28+$0xFFFFFF60]  }
0x80: {  	v9 =	vadd.f32 v16, v9;
	v16 =	vld [tilespmem:s28+$0xFFFFFFE0]  }
0x81: {  	v19 =	vld [tilespmem:s28+$0x60];
	_ =	sdelay $0x3  }
0x82: {  	v16 =	vmax.f32 v18, v16  }
0x83: {  	v17 =	vmax.f32 v19, v17  }
0x84: {  	v16 =	vmax.f32 v16, v17  }
0x85: {  	[tilespmem:s29+$0x14220] =	vst v16;
	v13 =	vadd.f32 v16, v13;
	v16 =	vmul.f32 v16, v16;
	v17 =	vld [tilespmem:s29+$0xF230]  }
0x86: {  	v18 =	vld [tilespmem:s28+$0xFFFFFF70]  }
0x87: {  	v7 =	vadd.f32 v16, v7;
	v16 =	vld [tilespmem:s28+$0xFFFFFFF0]  }
0x88: {  	v19 =	vld [tilespmem:s28+$0x70];
	_ =	sdelay $0x3  }
0x89: {  	v16 =	vmax.f32 v18, v16  }
0x8a: {  	v17 =	vmax.f32 v19, v17  }
0x8b: {  	v16 =	vmax.f32 v16, v17  }
0x8c: {  	[tilespmem:s29+$0x14230] =	vst v16;
	v12 =	vadd.f32 v16, v12;
	v16 =	vmul.f32 v16, v16;
	v17 =	vld [tilespmem:s29+$0xF240]  }
0x8d: {  	v18 =	vld [tilespmem:s28+$0x0]  }
0x8e: {  	v5 =	vadd.f32 v16, v5;
	v16 =	vld [tilespmem:s28+$0xFFFFFF80]  }
0x8f: {  	v19 =	vld [tilespmem:s28+$0x80];
	_ =	sdelay $0x3  }
0x90: {  	v16 =	vmax.f32 v16, v18  }
0x91: {  	v17 =	vmax.f32 v19, v17  }
0x92: {  	v16 =	vmax.f32 v16, v17  }
0x93: {  	[tilespmem:s29+$0x14240] =	vst v16;
	v10 =	vadd.f32 v16, v10;
	v16 =	vmul.f32 v16, v16;
	v17 =	vld [tilespmem:s29+$0xF250]  }
0x94: {  	v18 =	vld [tilespmem:s28+$0xFFFFFF90]  }
0x95: {  	v3 =	vadd.f32 v16, v3;
	v16 =	vld [tilespmem:s28+$0x10]  }
0x96: {  	v19 =	vld [tilespmem:s28+$0x90];
	_ =	sdelay $0x3  }
0x97: {  	v16 =	vmax.f32 v18, v16  }
0x98: {  	v17 =	vmax.f32 v19, v17  }
0x99: {  	v16 =	vmax.f32 v16, v17  }
0x9a: {  	[tilespmem:s29+$0x14250] =	vst v16;
	v8 =	vadd.f32 v16, v8;
	v16 =	vmul.f32 v16, v16;
	v17 =	vld [tilespmem:s29+$0xF260]  }
0x9b: {  	v19 =	vld [tilespmem:s28+$0xA0]  }
.Ltmp0:
0x9c: {  	v2 =	vadd.f32 v16, v2;
	v16 =	vld [tilespmem:s28+$0xFFFFFFA0];
	(pc) =	sbr.rel @p0 .LBB2_3-.Ltmp0, $2  }
0x9d: {  	v18 =	vld [tilespmem:s28+$0x20];
	_ =	sdelay $0x2  }
0x9e: {  	v17 =	vmax.f32 v19, v17  }
0x9f: {  	_ = 	snop  }
0xa0: {  	v16 =	vmax.f32 v16, v18  }
0xa1: {  	v16 =	vmax.f32 v16, v17  }
0xa2: {  	v17 =	vld [tilespmem:s29+$0xF270];
	[tilespmem:s29+$0x14260] =	vst v16  }
0xa3: {  	v61 =	vld [tilespmem:s30+$0xFFFFFFB0]  }
0xa4: {  	v19 =	vld [tilespmem:s30+$0xB0]  }
0xa5: {  	v20 =	vld [tilespmem:s30+$0x30];
	_ =	sdelay $0x4  }
0xa6: {  	s25 =	sadd.s32 $0x1, s25;
	v17 =	vmax.f32 v19, v17;
	v18 =	vmax.f32 v61, v20  }
0xa7: {  	p0 =	sne.s32 s25, s8;
	v17 =	vmax.f32 v18, v17  }
.Ltmp1:
0xa8: {  	s0 =	sadd.s32 s6, s26;
	[tilespmem:s29+$0x14270] =	vst v17;
	(pc) =	sbr.rel @p0 .LBB2_2-.Ltmp1, $4  }
0xa9: {  	v62 =	vmul.f32 v16, v16;
	[hbm4b:s0+s3] =	stream.linear.scatter [tilespmem:s22], [sflag:$0x2], $0x5000, $0x38;
	[tilespmem:$0x19300] =	vst v63  }
0xaa: {  	v63 =	vmul.f32 v17, v17;
	_ =	swait.ge [sflag:s10], $0x5000  }
0xab: {  	v6 =	vadd.f32 v16, v6;
	v1 =	vadd.f32 v62, v1;
	[sflag:s10] =	ssyncset.done $0x0  }
0xac: {  	v4 =	vadd.f32 v17, v4;
	v0 =	vadd.f32 v63, v0;
	[sflag:s10] =	ssyncadd.s32 $0xFFFFB000  }
0xad: {  	[tilespmem:$0x19200] =	vst v15  }
0xae: {  	[tilespmem:$0x19280] =	vst v11  }
0xaf: {  	[tilespmem:$0x19210] =	vst v14  }
0xb0: {  	[tilespmem:$0x19290] =	vst v9  }
0xb1: {  	[tilespmem:$0x19220] =	vst v13  }
0xb2: {  	[tilespmem:$0x192A0] =	vst v7  }
0xb3: {  	[tilespmem:$0x19230] =	vst v12  }
0xb4: {  	[tilespmem:$0x192B0] =	vst v5  }
0xb5: {  	[tilespmem:$0x19240] =	vst v10  }
0xb6: {  	[tilespmem:$0x192C0] =	vst v3  }
0xb7: {  	[tilespmem:$0x19250] =	vst v8  }
0xb8: {  	[tilespmem:$0x192D0] =	vst v2  }
0xb9: {  	[tilespmem:$0x19260] =	vst v6  }
0xba: {  	[tilespmem:$0x192E0] =	vst v1;
	s24 =	sadd.s32 $0x1, s24  }
0xbb: {  	[tilespmem:$0x19270] =	vst v4;
	p0 =	sne.s32 s24, s9  }
.Ltmp2:
0xbc: {  	[tilespmem:$0x192F0] =	vst v0;
	(pc) =	sbr.rel @p0 .LBB2_1-.Ltmp2, $4  }
0xbd: {  	[hbm4b:s7+s3] =	stream.linear.scatter [tilespmem:s23], [sflag:$0x2], $0x100, $0x38;
	[tilespmem:$0x19300] =	vst v63  }
0xbe: {  	_ =	swait.ge [sflag:s10], $0x100  }
0xbf: {  	[sflag:s10] =	ssyncset.done $0x0  }
0xc0: {  	[sflag:s10] =	ssyncadd.s32 $0xFFFFFF00  }
0xc1: {  	_ =	sfence.sel $0x180000  }
0xc2: {  	[bflag:$0x0] =	sbarrier.arrive $0xFFFF  }
0xc3: {  	_ =	strace $0x90000047  }
0xc4: {  	[bflag:$0x2] =	sbarrier.arrive $0xFFFF  }
0xc5: {  	p0 =	sne.s32 s2, $0x0;
	s0 =	rddreg [dreg:$0x2]  }
0xc6: {  	s0 =	sadd.s32 @!p0 $0x100000, s0  }
0xc7: {  	[sflag:s0] =	ssyncadd.tile.s32 @!p0 $0x1;
	_ =	shalt  }
.Lfunc_end2:
_tile_overlayer_lowered:
.L_overlay_start_2:
0xc8: {  	(tag) =	ssettag $0x2  }
0xc9: {  	s0 =	rddreg [dreg:$0x0];
	s2 =	stileid.u32  }
0xca: {  	s1 =	rddreg [dreg:$0x1];
	p0 =	sne.s32 s2, $0x0  }
0xcb: {  	s3 =	rddreg [dreg:$0x2];
	[bflag:$0x3] =	sbarrier.arrive $0xFFFF;
	s2 =	simm.s32 @!p0 $0x1C02  }
0xcc: {  	[timem:s3], [sflag:s2] =	dma.local @!p0 [hbm:s0], s1  }
0xcd: {  	s0 =	simm.s32 @!p0 $0x2  }
0xce: {  	_ =	swait.ge @!p0 [sflag:s0], s1  }
0xcf: {  	s1 =	ssub.s32 @!p0 $0x0, s1;
	[sflag:s0] =	ssyncset.done @!p0 $0x0  }
0xd0: {  	[sflag:s0] =	ssyncadd.s32 @!p0 s1  }
0xd1: {  	[bflag:$0x3] =	sbarrier.arrive $0xFFFF  }
0xd2: {  	_ =	shalt  }

</sc_bundles>
